<compile_context>
chip_gen: v7x
topology: tpu7x:2x2x1
jax: 0.10.2.dev20260603
libtpu: 0.0.44.dev20260713+nightly
codegen_flags: <defaults>
</compile_context>

<pallas_src>
import functools

import jax
import jax.numpy as jnp
from jax import lax
from jax.experimental import pallas as pl
from jax.experimental.pallas import tpu as pltpu
from jax.experimental.pallas import tpu_sc as plsc

N = 10000
E = 320000
D = 128
H = 128

N_PAD = 10240
NUM_SC = 2
TILES = 16
NW = NUM_SC * TILES
CHUNK = 128
NBUF = 3
EW = 10368
E_PAD = EW * NW
N_CHUNKS = EW // CHUNK
ACC_N = 10112
APT = ACC_N // TILES

BLK = 1024
GRID = N_PAD // BLK


def _elu(v):
    return jnp.where(v > 0, v, jnp.exp(jnp.minimum(v, 0.0)) - 1.0)


def _dot(a, w):
    return jnp.dot(a.astype(jnp.bfloat16), w.astype(jnp.bfloat16),
                   preferred_element_type=jnp.float32)



def _stage1_body(x_ref, w_ref, b_ref, o_ref):
    o_ref[...] = _elu(_dot(x_ref[...], w_ref[...]) + b_ref[...])


def _stage3_body(p0_ref, p1_ref, wp_ref, bp_ref, wa_ref, ba_ref,
                 h0_ref, y1_ref):
    agg = p0_ref[...] + p1_ref[...]
    h0 = _elu(_dot(agg, wp_ref[...]) + bp_ref[...])
    h0_ref[...] = h0
    y1_ref[...] = _elu(_dot(h0, wa_ref[...]) + ba_ref[...])


def _stage5_body(q0_ref, q1_ref, h0_ref, wpa_ref, wpb_ref, bp_ref,
                 wo_ref, bo_ref, s_ref):
    agg = q0_ref[...] + q1_ref[...]
    h1 = _elu(_dot(agg, wpa_ref[...]) + _dot(h0_ref[...], wpb_ref[...])
              + bp_ref[...])
    h1b = h1.astype(jnp.bfloat16).astype(jnp.float32)
    wob = wo_ref[...].astype(jnp.bfloat16).astype(jnp.float32)
    s_ref[...] = jnp.sum(h1b * wob, axis=1) + bo_ref[0, 0]


_row_spec = pl.BlockSpec((BLK, D), lambda i: (i, 0))
_w_spec = pl.BlockSpec((D, H), lambda i: (0, 0))
_b_spec = pl.BlockSpec((1, H), lambda i: (0, 0))

_stage1 = pl.pallas_call(
    _stage1_body,
    grid=(GRID,),
    in_specs=[_row_spec, _w_spec, _b_spec],
    out_specs=_row_spec,
    out_shape=jax.ShapeDtypeStruct((N_PAD, H), jnp.float32),
)

_stage3 = pl.pallas_call(
    _stage3_body,
    grid=(GRID,),
    in_specs=[_row_spec, _row_spec, _w_spec, _b_spec, _w_spec, _b_spec],
    out_specs=[_row_spec, _row_spec],
    out_shape=[jax.ShapeDtypeStruct((N_PAD, H), jnp.float32),
               jax.ShapeDtypeStruct((N_PAD, H), jnp.float32)],
)

_stage5 = pl.pallas_call(
    _stage5_body,
    grid=(GRID,),
    in_specs=[_row_spec, _row_spec, _row_spec, _w_spec, _w_spec, _b_spec,
              _b_spec, pl.BlockSpec((1, 1), lambda i: (0, 0))],
    out_specs=pl.BlockSpec((BLK,), lambda i: (i,)),
    out_shape=jax.ShapeDtypeStruct((N_PAD,), jnp.float32),
)



@functools.cache
def _make_sc_segment_sum():
    @functools.partial(
        pl.kernel,
        out_type=jax.ShapeDtypeStruct((NUM_SC, N_PAD, D), jnp.float32),
        mesh=plsc.VectorSubcoreMesh(core_axis_name="c", subcore_axis_name="s"),
        scratch_types=[
            [pltpu.VMEM((CHUNK,), jnp.int32) for _ in range(NBUF)],
            [pltpu.VMEM((CHUNK,), jnp.int32) for _ in range(NBUF)],
            [pltpu.VMEM((CHUNK, D), jnp.float32) for _ in range(NBUF)],
            pltpu.VMEM_SHARED((ACC_N, D), jnp.float32),
            [pltpu.SemaphoreType.DMA for _ in range(NBUF)],
            [pltpu.SemaphoreType.DMA for _ in range(NBUF)],
            [pltpu.SemaphoreType.DMA for _ in range(NBUF)],
            [pltpu.SemaphoreType.DMA for _ in range(NBUF)],
        ],
    )
    def _sc_segment_sum(y_hbm, src_hbm, dst_hbm, zeros_hbm, parts_hbm,
                        srcv, dstv, rows, acc_sh, gsem, ssem, isem, dsem):
        c = lax.axis_index("c")
        s = lax.axis_index("s")
        w = c * TILES + s
        pltpu.sync_copy(zeros_hbm, acc_sh.at[pl.ds(s * APT, APT)])
        plsc.subcore_barrier()

        for k in range(3):
            pltpu.sync_copy(src_hbm.at[w, k], srcv[k])
        for k in range(2):
            pltpu.sync_copy(dst_hbm.at[w, k], dstv[k])
            pltpu.async_copy(y_hbm.at[srcv[k]], rows[k], gsem[k])

        def outer(o, carry):
            for b in range(NBUF):
                k = o * NBUF + b
                b2 = (b + 2) % NBUF
                b3 = (b + 3) % NBUF

                pltpu.make_async_copy(y_hbm.at[srcv[b]], rows[b],
                                      gsem[b]).wait()

                @pl.when(k >= 2)
                def _():
                    pltpu.make_async_copy(dst_hbm.at[w, k], dstv[b],
                                          dsem[b]).wait()

                pltpu.async_copy(rows[b], acc_sh.at[dstv[b]], ssem[b],
                                 add=True)

                @pl.when(k + 2 < N_CHUNKS)
                def _():
                    @pl.when(k >= 1)
                    def _():
                        pltpu.make_async_copy(
                            rows[b2], acc_sh.at[dstv[b2]], ssem[b2]).wait()

                    pltpu.async_copy(dst_hbm.at[w, k + 2], dstv[b2],
                                     dsem[b2])

                    @pl.when(k >= 1)
                    def _():
                        pltpu.make_async_copy(src_hbm.at[w, k + 2],
                                              srcv[b2], isem[b2]).wait()

                    pltpu.async_copy(y_hbm.at[srcv[b2]], rows[b2], gsem[b2])

                @pl.when(k + 3 < N_CHUNKS)
                def _():
                    pltpu.async_copy(src_hbm.at[w, k + 3], srcv[b3],
                                     isem[b3])
            return carry

        lax.fori_loop(0, N_CHUNKS // NBUF, outer, 0)
        for b in range(NBUF):
            pltpu.make_async_copy(rows[b], acc_sh.at[dstv[b]],
                                  ssem[b]).wait()
        plsc.subcore_barrier()
        pltpu.sync_copy(acc_sh.at[pl.ds(s * APT, APT)],
                        parts_hbm.at[c, pl.ds(s * APT, APT)])

    return _sc_segment_sum


def kernel(x, edge_index, Wa0, ba0, Wp0, bp0, Wa1, ba1, Wp1, bp1, Wout, bout):
    x_pad = jnp.zeros((N_PAD, D), jnp.float32).at[:N].set(x)
    pad = jnp.full((E_PAD - E,), N, dtype=jnp.int32)
    src = jnp.concatenate([edge_index[0], pad]).reshape(NW, N_CHUNKS, CHUNK)
    dst = jnp.concatenate([edge_index[1], pad]).reshape(NW, N_CHUNKS, CHUNK)
    zeros = jnp.zeros((APT, D), jnp.float32)

    ba0r = ba0.reshape(1, H)
    bp0r = bp0.reshape(1, H)
    ba1r = ba1.reshape(1, H)
    bp1r = bp1.reshape(1, H)
    wor = Wout.reshape(1, H)
    bor = bout.reshape(1, 1)

    sc_segment_sum = _make_sc_segment_sum()
    y0 = _stage1(x_pad, Wa0, ba0r)
    parts0 = sc_segment_sum(y0, src, dst, zeros)
    h0, y1 = _stage3(parts0[0], parts0[1], Wp0, bp0r, Wa1, ba1r)
    parts1 = sc_segment_sum(y1, src, dst, zeros)
    scores = _stage5(parts1[0], parts1[1], h0, Wp1[:H], Wp1[H:], bp1r,
                     wor, bor)
    return scores[:N]

# --- scband reference (transcript-rebuilt; emitter-appended) ---
"""Pipeline reference for scband-prop-network-12180527251590 (READ-ONLY COPY).

The authoritative reference and input builder live on the scoring server;
editing this copy changes nothing except your own understanding.
"""

import jax, jax.numpy as jnp
import numpy as np

N = 10000
E = 320000
D = 128
H_ACT = 128
H_PROP = 128


def setup_inputs(seed: int = 0) -> dict:
    key = jax.random.key(seed)
    ks = jax.random.split(key, 12)
    x = jax.random.normal(ks[0], (N, D), dtype=jnp.float32)
    edge_index = jax.random.randint(ks[1], (2, E), 0, N, dtype=jnp.int32)
    s = 0.05
    Wa0 = jax.random.normal(ks[2], (D, H_ACT), dtype=jnp.float32) * s
    ba0 = jnp.zeros((H_ACT,), dtype=jnp.float32)
    Wp0 = jax.random.normal(ks[3], (H_ACT, H_PROP), dtype=jnp.float32) * s
    bp0 = jnp.zeros((H_PROP,), dtype=jnp.float32)
    Wa1 = jax.random.normal(ks[4], (H_PROP, H_ACT), dtype=jnp.float32) * s
    ba1 = jnp.zeros((H_ACT,), dtype=jnp.float32)
    Wp1 = jax.random.normal(ks[5], (H_ACT + H_PROP, H_PROP), dtype=jnp.float32) * s
    bp1 = jnp.zeros((H_PROP,), dtype=jnp.float32)
    Wout = jax.random.normal(ks[6], (H_PROP, 1), dtype=jnp.float32) * s
    bout = jnp.zeros((1,), dtype=jnp.float32)
    return {
        'x': x, 'edge_index': edge_index,
        'Wa0': Wa0, 'ba0': ba0, 'Wp0': Wp0, 'bp0': bp0,
        'Wa1': Wa1, 'ba1': ba1, 'Wp1': Wp1, 'bp1': bp1,
        'Wout': Wout, 'bout': bout,
    }


def reference(x, edge_index, Wa0, ba0, Wp0, bp0, Wa1, ba1, Wp1, bp1, Wout, bout):
    # PropNetwork-style bipartite propagation: action modules read features of
    # related propositions (gather along edges), proposition modules pool the
    # outputs of all related action slots (segment-sum over dst) and apply an
    # ELU dense module; layer 1 prop modules use a skip connection from the
    # previous prop layer, matching skip=True in PropNetworkWeights.
    src = edge_index[0]
    dst = edge_index[1]
    # --- hidden layer 0 ---
    act_in0 = jnp.take(x, src, axis=0)                       # gather prop feats per act slot
    m0 = jax.nn.elu(act_in0 @ Wa0 + ba0)                     # act module 0
    agg0 = jax.ops.segment_sum(m0, dst, num_segments=N)      # pool act outputs per prop
    h0 = jax.nn.elu(agg0 @ Wp0 + bp0)                        # prop module 0
    # --- hidden layer 1 (skip connections) ---
    act_in1 = jnp.take(h0, src, axis=0)
    m1 = jax.nn.elu(act_in1 @ Wa1 + ba1)                     # act module 1
    agg1 = jax.ops.segment_sum(m1, dst, num_segments=N)
    prop_in1 = jnp.concatenate([agg1, h0], axis=1)           # skip connection
    h1 = jax.nn.elu(prop_in1 @ Wp1 + bp1)                    # prop module 1
    # --- final action scores (merge_finals-style reduce to one scalar/node) ---
    scores = (h1 @ Wout + bout)[:, 0]
    return scores

if __name__ == "__main__":
    import jax
    _d = setup_inputs()
    print(jax.jit(kernel)(*tuple(_d.values())))

</pallas_src>

<mosaic_0001>
#map = affine_map<(d0, d1) -> (0, 0)>
#map1 = affine_map<(d0, d1) -> (0, 0, 0)>
module attributes {stable_mosaic.version = 14 : i64} {
  func.func @_sc_segment_sum(%arg0: i32, %arg1: i32, %arg2: memref<10240x128xf32, #tpu.memory_space<hbm>>, %arg3: memref<32x81x128xi32, #tpu.memory_space<hbm>>, %arg4: memref<32x81x128xi32, #tpu.memory_space<hbm>>, %arg5: memref<632x128xf32, #tpu.memory_space<hbm>>, %arg6: memref<2x10240x128xf32, #tpu.memory_space<hbm>>, %arg7: memref<128xi32, #tpu.memory_space<vmem>>, %arg8: memref<128xi32, #tpu.memory_space<vmem>>, %arg9: memref<128xi32, #tpu.memory_space<vmem>>, %arg10: memref<128xi32, #tpu.memory_space<vmem>>, %arg11: memref<128xi32, #tpu.memory_space<vmem>>, %arg12: memref<128xi32, #tpu.memory_space<vmem>>, %arg13: memref<128x128xf32, #tpu.memory_space<vmem>>, %arg14: memref<128x128xf32, #tpu.memory_space<vmem>>, %arg15: memref<128x128xf32, #tpu.memory_space<vmem>>, %arg16: memref<10112x128xf32, #tpu.memory_space<vmem_shared>>, %arg17: memref<!tpu.dma_semaphore, #tpu.memory_space<semaphore_mem>>, %arg18: memref<!tpu.dma_semaphore, #tpu.memory_space<semaphore_mem>>, %arg19: memref<!tpu.dma_semaphore, #tpu.memory_space<semaphore_mem>>, %arg20: memref<!tpu.dma_semaphore, #tpu.memory_space<semaphore_mem>>, %arg21: memref<!tpu.dma_semaphore, #tpu.memory_space<semaphore_mem>>, %arg22: memref<!tpu.dma_semaphore, #tpu.memory_space<semaphore_mem>>, %arg23: memref<!tpu.dma_semaphore, #tpu.memory_space<semaphore_mem>>, %arg24: memref<!tpu.dma_semaphore, #tpu.memory_space<semaphore_mem>>, %arg25: memref<!tpu.dma_semaphore, #tpu.memory_space<semaphore_mem>>, %arg26: memref<!tpu.dma_semaphore, #tpu.memory_space<semaphore_mem>>, %arg27: memref<!tpu.dma_semaphore, #tpu.memory_space<semaphore_mem>>, %arg28: memref<!tpu.dma_semaphore, #tpu.memory_space<semaphore_mem>>) attributes {dimension_semantics = [#tpu.dimension_semantics<core_parallel>, #tpu.dimension_semantics<subcore_parallel>], iteration_bounds = array<i64: 2, 16>, scalar_prefetch = 0 : i64, scratch_operands = 22 : i64, tpu.core_type = #tpu.core_type<sc_vector_subcore>, window_params = [{transform_indices = #map}, {transform_indices = #map1}, {transform_indices = #map1}, {transform_indices = #map}, {transform_indices = #map1}]} {
    %mul3A = arith.constant 16 : i32
    %mul3A_0 = arith.muli %arg0, %mul3A : i32
    %add3A = arith.addi %mul3A_0, %arg1 : i32
    %mul3A_1 = arith.constant 632 : i32
    %mul3A_2 = arith.muli %arg1, %mul3A_1 : i32
    "tpu.region"() ({
      %run_scoped3A_30 = tpu.sem_alloc : memref<!tpu.dma_semaphore, #tpu.memory_space<semaphore_mem>>
      %dma_start3A_31 = arith.constant 0 : i32
      %dma_start3A_32 = tpu.memref_slice %arg16[%mul3A_2, %dma_start3A_31] : memref<10112x128xf32, #tpu.memory_space<vmem_shared>> -> memref<632x128xf32, #tpu.memory_space<vmem_shared>>
      tpu.enqueue_dma source(%arg5 : memref<632x128xf32, #tpu.memory_space<hbm>>) target(%dma_start3A_32 : memref<632x128xf32, #tpu.memory_space<vmem_shared>>) target_semaphore(%run_scoped3A_30 : memref<!tpu.dma_semaphore, #tpu.memory_space<semaphore_mem>>)
      %dma_wait3A_33 = arith.constant 0 : i32
      %dma_wait3A_34 = tpu.memref_slice %arg16[%mul3A_2, %dma_wait3A_33] : memref<10112x128xf32, #tpu.memory_space<vmem_shared>> -> memref<632x128xf32, #tpu.memory_space<vmem_shared>>
      tpu.wait_dma2 semaphore(%run_scoped3A_30 : memref<!tpu.dma_semaphore, #tpu.memory_space<semaphore_mem>>) src(%arg5 : memref<632x128xf32, #tpu.memory_space<hbm>>) dst(%dma_wait3A_34 : memref<632x128xf32, #tpu.memory_space<vmem_shared>>)
      tpu.yield
    }) : () -> ()
    %barrier3A = arith.constant 0 : index
    tpu.barrier barrier_id(%barrier3A)
    %run_scoped3A = arith.constant 0 : i32
    "tpu.region"() ({
      %run_scoped3A_30 = tpu.sem_alloc : memref<!tpu.dma_semaphore, #tpu.memory_space<semaphore_mem>>
      %dma_start3A_31 = arith.constant 0 : i32
      %dma_start3A_32 = tpu.memref_slice %arg3[%add3A, %run_scoped3A, %dma_start3A_31] : memref<32x81x128xi32, #tpu.memory_space<hbm>> -> memref<1x1x128xi32, #tpu.memory_space<hbm>>
      %dma_start3A_33 = tpu.memref_squeeze %dma_start3A_32 : memref<1x1x128xi32, #tpu.memory_space<hbm>> -> memref<128xi32, #tpu.memory_space<hbm>>
      %dma_start3A_34 = arith.constant 0 : i32
      %dma_start3A_35 = tpu.memref_slice %arg3[%add3A, %run_scoped3A, %dma_start3A_34] : memref<32x81x128xi32, #tpu.memory_space<hbm>> -> memref<1x1x128xi32, #tpu.memory_space<hbm>>
      %dma_start3A_36 = tpu.memref_squeeze %dma_start3A_35 : memref<1x1x128xi32, #tpu.memory_space<hbm>> -> memref<128xi32, #tpu.memory_space<hbm>>
      tpu.enqueue_dma source(%dma_start3A_36 : memref<128xi32, #tpu.memory_space<hbm>>) target(%arg7 : memref<128xi32, #tpu.memory_space<vmem>>) target_semaphore(%run_scoped3A_30 : memref<!tpu.dma_semaphore, #tpu.memory_space<semaphore_mem>>)
      %dma_wait3A_37 = arith.constant 0 : i32
      %dma_wait3A_38 = tpu.memref_slice %arg3[%add3A, %run_scoped3A, %dma_wait3A_37] : memref<32x81x128xi32, #tpu.memory_space<hbm>> -> memref<1x1x128xi32, #tpu.memory_space<hbm>>
      %dma_wait3A_39 = tpu.memref_squeeze %dma_wait3A_38 : memref<1x1x128xi32, #tpu.memory_space<hbm>> -> memref<128xi32, #tpu.memory_space<hbm>>
      %dma_wait3A_40 = arith.constant 0 : i32
      %dma_wait3A_41 = tpu.memref_slice %arg3[%add3A, %run_scoped3A, %dma_wait3A_40] : memref<32x81x128xi32, #tpu.memory_space<hbm>> -> memref<1x1x128xi32, #tpu.memory_space<hbm>>
      %dma_wait3A_42 = tpu.memref_squeeze %dma_wait3A_41 : memref<1x1x128xi32, #tpu.memory_space<hbm>> -> memref<128xi32, #tpu.memory_space<hbm>>
      tpu.wait_dma2 semaphore(%run_scoped3A_30 : memref<!tpu.dma_semaphore, #tpu.memory_space<semaphore_mem>>) src(%dma_wait3A_42 : memref<128xi32, #tpu.memory_space<hbm>>) dst(%arg7 : memref<128xi32, #tpu.memory_space<vmem>>)
      tpu.yield
    }) : () -> ()
    %run_scoped3A_3 = arith.constant 1 : i32
    "tpu.region"() ({
      %run_scoped3A_30 = tpu.sem_alloc : memref<!tpu.dma_semaphore, #tpu.memory_space<semaphore_mem>>
      %dma_start3A_31 = arith.constant 0 : i32
      %dma_start3A_32 = tpu.memref_slice %arg3[%add3A, %run_scoped3A_3, %dma_start3A_31] : memref<32x81x128xi32, #tpu.memory_space<hbm>> -> memref<1x1x128xi32, #tpu.memory_space<hbm>>
      %dma_start3A_33 = tpu.memref_squeeze %dma_start3A_32 : memref<1x1x128xi32, #tpu.memory_space<hbm>> -> memref<128xi32, #tpu.memory_space<hbm>>
      %dma_start3A_34 = arith.constant 0 : i32
      %dma_start3A_35 = tpu.memref_slice %arg3[%add3A, %run_scoped3A_3, %dma_start3A_34] : memref<32x81x128xi32, #tpu.memory_space<hbm>> -> memref<1x1x128xi32, #tpu.memory_space<hbm>>
      %dma_start3A_36 = tpu.memref_squeeze %dma_start3A_35 : memref<1x1x128xi32, #tpu.memory_space<hbm>> -> memref<128xi32, #tpu.memory_space<hbm>>
      tpu.enqueue_dma source(%dma_start3A_36 : memref<128xi32, #tpu.memory_space<hbm>>) target(%arg8 : memref<128xi32, #tpu.memory_space<vmem>>) target_semaphore(%run_scoped3A_30 : memref<!tpu.dma_semaphore, #tpu.memory_space<semaphore_mem>>)
      %dma_wait3A_37 = arith.constant 0 : i32
      %dma_wait3A_38 = tpu.memref_slice %arg3[%add3A, %run_scoped3A_3, %dma_wait3A_37] : memref<32x81x128xi32, #tpu.memory_space<hbm>> -> memref<1x1x128xi32, #tpu.memory_space<hbm>>
      %dma_wait3A_39 = tpu.memref_squeeze %dma_wait3A_38 : memref<1x1x128xi32, #tpu.memory_space<hbm>> -> memref<128xi32, #tpu.memory_space<hbm>>
      %dma_wait3A_40 = arith.constant 0 : i32
      %dma_wait3A_41 = tpu.memref_slice %arg3[%add3A, %run_scoped3A_3, %dma_wait3A_40] : memref<32x81x128xi32, #tpu.memory_space<hbm>> -> memref<1x1x128xi32, #tpu.memory_space<hbm>>
      %dma_wait3A_42 = tpu.memref_squeeze %dma_wait3A_41 : memref<1x1x128xi32, #tpu.memory_space<hbm>> -> memref<128xi32, #tpu.memory_space<hbm>>
      tpu.wait_dma2 semaphore(%run_scoped3A_30 : memref<!tpu.dma_semaphore, #tpu.memory_space<semaphore_mem>>) src(%dma_wait3A_42 : memref<128xi32, #tpu.memory_space<hbm>>) dst(%arg8 : memref<128xi32, #tpu.memory_space<vmem>>)
      tpu.yield
    }) : () -> ()
    %run_scoped3A_4 = arith.constant 2 : i32
    "tpu.region"() ({
      %run_scoped3A_30 = tpu.sem_alloc : memref<!tpu.dma_semaphore, #tpu.memory_space<semaphore_mem>>
      %dma_start3A_31 = arith.constant 0 : i32
      %dma_start3A_32 = tpu.memref_slice %arg3[%add3A, %run_scoped3A_4, %dma_start3A_31] : memref<32x81x128xi32, #tpu.memory_space<hbm>> -> memref<1x1x128xi32, #tpu.memory_space<hbm>>
      %dma_start3A_33 = tpu.memref_squeeze %dma_start3A_32 : memref<1x1x128xi32, #tpu.memory_space<hbm>> -> memref<128xi32, #tpu.memory_space<hbm>>
      %dma_start3A_34 = arith.constant 0 : i32
      %dma_start3A_35 = tpu.memref_slice %arg3[%add3A, %run_scoped3A_4, %dma_start3A_34] : memref<32x81x128xi32, #tpu.memory_space<hbm>> -> memref<1x1x128xi32, #tpu.memory_space<hbm>>
      %dma_start3A_36 = tpu.memref_squeeze %dma_start3A_35 : memref<1x1x128xi32, #tpu.memory_space<hbm>> -> memref<128xi32, #tpu.memory_space<hbm>>
      tpu.enqueue_dma source(%dma_start3A_36 : memref<128xi32, #tpu.memory_space<hbm>>) target(%arg9 : memref<128xi32, #tpu.memory_space<vmem>>) target_semaphore(%run_scoped3A_30 : memref<!tpu.dma_semaphore, #tpu.memory_space<semaphore_mem>>)
      %dma_wait3A_37 = arith.constant 0 : i32
      %dma_wait3A_38 = tpu.memref_slice %arg3[%add3A, %run_scoped3A_4, %dma_wait3A_37] : memref<32x81x128xi32, #tpu.memory_space<hbm>> -> memref<1x1x128xi32, #tpu.memory_space<hbm>>
      %dma_wait3A_39 = tpu.memref_squeeze %dma_wait3A_38 : memref<1x1x128xi32, #tpu.memory_space<hbm>> -> memref<128xi32, #tpu.memory_space<hbm>>
      %dma_wait3A_40 = arith.constant 0 : i32
      %dma_wait3A_41 = tpu.memref_slice %arg3[%add3A, %run_scoped3A_4, %dma_wait3A_40] : memref<32x81x128xi32, #tpu.memory_space<hbm>> -> memref<1x1x128xi32, #tpu.memory_space<hbm>>
      %dma_wait3A_42 = tpu.memref_squeeze %dma_wait3A_41 : memref<1x1x128xi32, #tpu.memory_space<hbm>> -> memref<128xi32, #tpu.memory_space<hbm>>
      tpu.wait_dma2 semaphore(%run_scoped3A_30 : memref<!tpu.dma_semaphore, #tpu.memory_space<semaphore_mem>>) src(%dma_wait3A_42 : memref<128xi32, #tpu.memory_space<hbm>>) dst(%arg9 : memref<128xi32, #tpu.memory_space<vmem>>)
      tpu.yield
    }) : () -> ()
    %run_scoped3A_5 = arith.constant 0 : i32
    "tpu.region"() ({
      %run_scoped3A_30 = tpu.sem_alloc : memref<!tpu.dma_semaphore, #tpu.memory_space<semaphore_mem>>
      %dma_start3A_31 = arith.constant 0 : i32
      %dma_start3A_32 = tpu.memref_slice %arg4[%add3A, %run_scoped3A_5, %dma_start3A_31] : memref<32x81x128xi32, #tpu.memory_space<hbm>> -> memref<1x1x128xi32, #tpu.memory_space<hbm>>
      %dma_start3A_33 = tpu.memref_squeeze %dma_start3A_32 : memref<1x1x128xi32, #tpu.memory_space<hbm>> -> memref<128xi32, #tpu.memory_space<hbm>>
      %dma_start3A_34 = arith.constant 0 : i32
      %dma_start3A_35 = tpu.memref_slice %arg4[%add3A, %run_scoped3A_5, %dma_start3A_34] : memref<32x81x128xi32, #tpu.memory_space<hbm>> -> memref<1x1x128xi32, #tpu.memory_space<hbm>>
      %dma_start3A_36 = tpu.memref_squeeze %dma_start3A_35 : memref<1x1x128xi32, #tpu.memory_space<hbm>> -> memref<128xi32, #tpu.memory_space<hbm>>
      tpu.enqueue_dma source(%dma_start3A_36 : memref<128xi32, #tpu.memory_space<hbm>>) target(%arg10 : memref<128xi32, #tpu.memory_space<vmem>>) target_semaphore(%run_scoped3A_30 : memref<!tpu.dma_semaphore, #tpu.memory_space<semaphore_mem>>)
      %dma_wait3A_37 = arith.constant 0 : i32
      %dma_wait3A_38 = tpu.memref_slice %arg4[%add3A, %run_scoped3A_5, %dma_wait3A_37] : memref<32x81x128xi32, #tpu.memory_space<hbm>> -> memref<1x1x128xi32, #tpu.memory_space<hbm>>
      %dma_wait3A_39 = tpu.memref_squeeze %dma_wait3A_38 : memref<1x1x128xi32, #tpu.memory_space<hbm>> -> memref<128xi32, #tpu.memory_space<hbm>>
      %dma_wait3A_40 = arith.constant 0 : i32
      %dma_wait3A_41 = tpu.memref_slice %arg4[%add3A, %run_scoped3A_5, %dma_wait3A_40] : memref<32x81x128xi32, #tpu.memory_space<hbm>> -> memref<1x1x128xi32, #tpu.memory_space<hbm>>
      %dma_wait3A_42 = tpu.memref_squeeze %dma_wait3A_41 : memref<1x1x128xi32, #tpu.memory_space<hbm>> -> memref<128xi32, #tpu.memory_space<hbm>>
      tpu.wait_dma2 semaphore(%run_scoped3A_30 : memref<!tpu.dma_semaphore, #tpu.memory_space<semaphore_mem>>) src(%dma_wait3A_42 : memref<128xi32, #tpu.memory_space<hbm>>) dst(%arg10 : memref<128xi32, #tpu.memory_space<vmem>>)
      tpu.yield
    }) : () -> ()
    %dma_start3A = arith.constant 0 : i32
    %dma_start3A_6 = arith.constant 0 : i32
    %dma_start3A_7 = tpu.memref_slice %arg2[%dma_start3A, %dma_start3A_6] : memref<10240x128xf32, #tpu.memory_space<hbm>> -> memref<10240x128xf32, #tpu.memory_space<hbm>>
    tpu.enqueue_indirect_dma source(%dma_start3A_7 : memref<10240x128xf32, #tpu.memory_space<hbm>>) target(%arg13 : memref<128x128xf32, #tpu.memory_space<vmem>>) offsets(%arg7 : memref<128xi32, #tpu.memory_space<vmem>>) semaphore(%arg17 : memref<!tpu.dma_semaphore, #tpu.memory_space<semaphore_mem>>)
    %run_scoped3A_8 = arith.constant 1 : i32
    "tpu.region"() ({
      %run_scoped3A_30 = tpu.sem_alloc : memref<!tpu.dma_semaphore, #tpu.memory_space<semaphore_mem>>
      %dma_start3A_31 = arith.constant 0 : i32
      %dma_start3A_32 = tpu.memref_slice %arg4[%add3A, %run_scoped3A_8, %dma_start3A_31] : memref<32x81x128xi32, #tpu.memory_space<hbm>> -> memref<1x1x128xi32, #tpu.memory_space<hbm>>
      %dma_start3A_33 = tpu.memref_squeeze %dma_start3A_32 : memref<1x1x128xi32, #tpu.memory_space<hbm>> -> memref<128xi32, #tpu.memory_space<hbm>>
      %dma_start3A_34 = arith.constant 0 : i32
      %dma_start3A_35 = tpu.memref_slice %arg4[%add3A, %run_scoped3A_8, %dma_start3A_34] : memref<32x81x128xi32, #tpu.memory_space<hbm>> -> memref<1x1x128xi32, #tpu.memory_space<hbm>>
      %dma_start3A_36 = tpu.memref_squeeze %dma_start3A_35 : memref<1x1x128xi32, #tpu.memory_space<hbm>> -> memref<128xi32, #tpu.memory_space<hbm>>
      tpu.enqueue_dma source(%dma_start3A_36 : memref<128xi32, #tpu.memory_space<hbm>>) target(%arg11 : memref<128xi32, #tpu.memory_space<vmem>>) target_semaphore(%run_scoped3A_30 : memref<!tpu.dma_semaphore, #tpu.memory_space<semaphore_mem>>)
      %dma_wait3A_37 = arith.constant 0 : i32
      %dma_wait3A_38 = tpu.memref_slice %arg4[%add3A, %run_scoped3A_8, %dma_wait3A_37] : memref<32x81x128xi32, #tpu.memory_space<hbm>> -> memref<1x1x128xi32, #tpu.memory_space<hbm>>
      %dma_wait3A_39 = tpu.memref_squeeze %dma_wait3A_38 : memref<1x1x128xi32, #tpu.memory_space<hbm>> -> memref<128xi32, #tpu.memory_space<hbm>>
      %dma_wait3A_40 = arith.constant 0 : i32
      %dma_wait3A_41 = tpu.memref_slice %arg4[%add3A, %run_scoped3A_8, %dma_wait3A_40] : memref<32x81x128xi32, #tpu.memory_space<hbm>> -> memref<1x1x128xi32, #tpu.memory_space<hbm>>
      %dma_wait3A_42 = tpu.memref_squeeze %dma_wait3A_41 : memref<1x1x128xi32, #tpu.memory_space<hbm>> -> memref<128xi32, #tpu.memory_space<hbm>>
      tpu.wait_dma2 semaphore(%run_scoped3A_30 : memref<!tpu.dma_semaphore, #tpu.memory_space<semaphore_mem>>) src(%dma_wait3A_42 : memref<128xi32, #tpu.memory_space<hbm>>) dst(%arg11 : memref<128xi32, #tpu.memory_space<vmem>>)
      tpu.yield
    }) : () -> ()
    %dma_start3A_9 = arith.constant 0 : i32
    %dma_start3A_10 = arith.constant 0 : i32
    %dma_start3A_11 = tpu.memref_slice %arg2[%dma_start3A_9, %dma_start3A_10] : memref<10240x128xf32, #tpu.memory_space<hbm>> -> memref<10240x128xf32, #tpu.memory_space<hbm>>
    tpu.enqueue_indirect_dma source(%dma_start3A_11 : memref<10240x128xf32, #tpu.memory_space<hbm>>) target(%arg14 : memref<128x128xf32, #tpu.memory_space<vmem>>) offsets(%arg8 : memref<128xi32, #tpu.memory_space<vmem>>) semaphore(%arg18 : memref<!tpu.dma_semaphore, #tpu.memory_space<semaphore_mem>>)
    %scan3A = arith.constant 0 : i32
    %scan3A_12 = arith.constant 0 : i32
    %scan3A_13 = arith.constant 27 : i32
    %scan3A_14 = arith.addi %scan3A_12, %scan3A_13 : i32
    %scan3A_15 = arith.constant 1 : i32
    scf.for %scan3A_30 = %scan3A_12 to %scan3A_14 step %scan3A_15  : i32 {
      %mul3A_31 = arith.constant 3 : i32
      %mul3A_32 = arith.muli %scan3A_30, %mul3A_31 : i32
      %add3A_33 = arith.constant 0 : i32
      %add3A_34 = arith.addi %mul3A_32, %add3A_33 : i32
      %dma_wait3A_35 = arith.constant 0 : i32
      %dma_wait3A_36 = arith.constant 0 : i32
      %dma_wait3A_37 = tpu.memref_slice %arg2[%dma_wait3A_35, %dma_wait3A_36] : memref<10240x128xf32, #tpu.memory_space<hbm>> -> memref<10240x128xf32, #tpu.memory_space<hbm>>
      tpu.wait_indirect_dma semaphore(%arg17 : memref<!tpu.dma_semaphore, #tpu.memory_space<semaphore_mem>>) src(%dma_wait3A_37 : memref<10240x128xf32, #tpu.memory_space<hbm>>) dst(%arg13 : memref<128x128xf32, #tpu.memory_space<vmem>>)
      %ge3A = arith.constant 2 : i32
      %ge3A_38 = arith.cmpi sge, %add3A_34, %ge3A : i32
      %convert_element_type3A = arith.extui %ge3A_38 : i1 to i32
      %cond3A = arith.constant 0 : i32
      %cond3A_39 = arith.cmpi ne, %convert_element_type3A, %cond3A : i32
      scf.if %cond3A_39 {
        %dma_wait3A_114 = arith.constant 0 : i32
        %dma_wait3A_115 = tpu.memref_slice %arg4[%add3A, %add3A_34, %dma_wait3A_114] : memref<32x81x128xi32, #tpu.memory_space<hbm>> -> memref<1x1x128xi32, #tpu.memory_space<hbm>>
        %dma_wait3A_116 = tpu.memref_squeeze %dma_wait3A_115 : memref<1x1x128xi32, #tpu.memory_space<hbm>> -> memref<128xi32, #tpu.memory_space<hbm>>
        %dma_wait3A_117 = arith.constant 0 : i32
        %dma_wait3A_118 = tpu.memref_slice %arg4[%add3A, %add3A_34, %dma_wait3A_117] : memref<32x81x128xi32, #tpu.memory_space<hbm>> -> memref<1x1x128xi32, #tpu.memory_space<hbm>>
        %dma_wait3A_119 = tpu.memref_squeeze %dma_wait3A_118 : memref<1x1x128xi32, #tpu.memory_space<hbm>> -> memref<128xi32, #tpu.memory_space<hbm>>
        tpu.wait_dma2 semaphore(%arg26 : memref<!tpu.dma_semaphore, #tpu.memory_space<semaphore_mem>>) src(%dma_wait3A_119 : memref<128xi32, #tpu.memory_space<hbm>>) dst(%arg10 : memref<128xi32, #tpu.memory_space<vmem>>)
      } else {
      }
      %dma_start3A_40 = arith.constant 0 : i32
      %dma_start3A_41 = arith.constant 0 : i32
      %dma_start3A_42 = tpu.memref_slice %arg16[%dma_start3A_40, %dma_start3A_41] : memref<10112x128xf32, #tpu.memory_space<vmem_shared>> -> memref<10112x128xf32, #tpu.memory_space<vmem_shared>>
      tpu.enqueue_indirect_dma source(%arg13 : memref<128x128xf32, #tpu.memory_space<vmem>>) target(%dma_start3A_42 : memref<10112x128xf32, #tpu.memory_space<vmem_shared>>) offsets(%arg10 : memref<128xi32, #tpu.memory_space<vmem>>) semaphore(%arg20 : memref<!tpu.dma_semaphore, #tpu.memory_space<semaphore_mem>>) {add = true}
      %add3A_43 = arith.constant 2 : i32
      %add3A_44 = arith.addi %add3A_34, %add3A_43 : i32
      %lt3A = arith.constant 81 : i32
      %lt3A_45 = arith.cmpi slt, %add3A_44, %lt3A : i32
      %convert_element_type3A_46 = arith.extui %lt3A_45 : i1 to i32
      %cond3A_47 = arith.constant 0 : i32
      %cond3A_48 = arith.cmpi ne, %convert_element_type3A_46, %cond3A_47 : i32
      scf.if %cond3A_48 {
        %ge3A_114 = arith.constant 1 : i32
        %ge3A_115 = arith.cmpi sge, %add3A_34, %ge3A_114 : i32
        %convert_element_type3A_116 = arith.extui %ge3A_115 : i1 to i32
        %cond3A_117 = arith.constant 0 : i32
        %cond3A_118 = arith.cmpi ne, %convert_element_type3A_116, %cond3A_117 : i32
        scf.if %cond3A_118 {
          %dma_wait3A_135 = arith.constant 0 : i32
          %dma_wait3A_136 = arith.constant 0 : i32
          %dma_wait3A_137 = tpu.memref_slice %arg16[%dma_wait3A_135, %dma_wait3A_136] : memref<10112x128xf32, #tpu.memory_space<vmem_shared>> -> memref<10112x128xf32, #tpu.memory_space<vmem_shared>>
          tpu.wait_indirect_dma semaphore(%arg22 : memref<!tpu.dma_semaphore, #tpu.memory_space<semaphore_mem>>) src(%arg15 : memref<128x128xf32, #tpu.memory_space<vmem>>) dst(%dma_wait3A_137 : memref<10112x128xf32, #tpu.memory_space<vmem_shared>>)
        } else {
        }
        %add3A_119 = arith.constant 2 : i32
        %add3A_120 = arith.addi %add3A_34, %add3A_119 : i32
        %dma_start3A_121 = arith.constant 0 : i32
        %dma_start3A_122 = tpu.memref_slice %arg4[%add3A, %add3A_120, %dma_start3A_121] : memref<32x81x128xi32, #tpu.memory_space<hbm>> -> memref<1x1x128xi32, #tpu.memory_space<hbm>>
        %dma_start3A_123 = tpu.memref_squeeze %dma_start3A_122 : memref<1x1x128xi32, #tpu.memory_space<hbm>> -> memref<128xi32, #tpu.memory_space<hbm>>
        %dma_start3A_124 = arith.constant 0 : i32
        %dma_start3A_125 = tpu.memref_slice %arg4[%add3A, %add3A_120, %dma_start3A_124] : memref<32x81x128xi32, #tpu.memory_space<hbm>> -> memref<1x1x128xi32, #tpu.memory_space<hbm>>
        %dma_start3A_126 = tpu.memref_squeeze %dma_start3A_125 : memref<1x1x128xi32, #tpu.memory_space<hbm>> -> memref<128xi32, #tpu.memory_space<hbm>>
        tpu.enqueue_dma source(%dma_start3A_126 : memref<128xi32, #tpu.memory_space<hbm>>) target(%arg12 : memref<128xi32, #tpu.memory_space<vmem>>) target_semaphore(%arg28 : memref<!tpu.dma_semaphore, #tpu.memory_space<semaphore_mem>>)
        %ge3A_127 = arith.constant 1 : i32
        %ge3A_128 = arith.cmpi sge, %add3A_34, %ge3A_127 : i32
        %convert_element_type3A_129 = arith.extui %ge3A_128 : i1 to i32
        %cond3A_130 = arith.constant 0 : i32
        %cond3A_131 = arith.cmpi ne, %convert_element_type3A_129, %cond3A_130 : i32
        scf.if %cond3A_131 {
          %add3A_135 = arith.constant 2 : i32
          %add3A_136 = arith.addi %add3A_34, %add3A_135 : i32
          %dma_wait3A_137 = arith.constant 0 : i32
          %dma_wait3A_138 = tpu.memref_slice %arg3[%add3A, %add3A_136, %dma_wait3A_137] : memref<32x81x128xi32, #tpu.memory_space<hbm>> -> memref<1x1x128xi32, #tpu.memory_space<hbm>>
          %dma_wait3A_139 = tpu.memref_squeeze %dma_wait3A_138 : memref<1x1x128xi32, #tpu.memory_space<hbm>> -> memref<128xi32, #tpu.memory_space<hbm>>
          %dma_wait3A_140 = arith.constant 0 : i32
          %dma_wait3A_141 = tpu.memref_slice %arg3[%add3A, %add3A_136, %dma_wait3A_140] : memref<32x81x128xi32, #tpu.memory_space<hbm>> -> memref<1x1x128xi32, #tpu.memory_space<hbm>>
          %dma_wait3A_142 = tpu.memref_squeeze %dma_wait3A_141 : memref<1x1x128xi32, #tpu.memory_space<hbm>> -> memref<128xi32, #tpu.memory_space<hbm>>
          tpu.wait_dma2 semaphore(%arg25 : memref<!tpu.dma_semaphore, #tpu.memory_space<semaphore_mem>>) src(%dma_wait3A_142 : memref<128xi32, #tpu.memory_space<hbm>>) dst(%arg9 : memref<128xi32, #tpu.memory_space<vmem>>)
        } else {
        }
        %dma_start3A_132 = arith.constant 0 : i32
        %dma_start3A_133 = arith.constant 0 : i32
        %dma_start3A_134 = tpu.memref_slice %arg2[%dma_start3A_132, %dma_start3A_133] : memref<10240x128xf32, #tpu.memory_space<hbm>> -> memref<10240x128xf32, #tpu.memory_space<hbm>>
        tpu.enqueue_indirect_dma source(%dma_start3A_134 : memref<10240x128xf32, #tpu.memory_space<hbm>>) target(%arg15 : memref<128x128xf32, #tpu.memory_space<vmem>>) offsets(%arg9 : memref<128xi32, #tpu.memory_space<vmem>>) semaphore(%arg19 : memref<!tpu.dma_semaphore, #tpu.memory_space<semaphore_mem>>)
      } else {
      }
      %add3A_49 = arith.constant 3 : i32
      %add3A_50 = arith.addi %add3A_34, %add3A_49 : i32
      %lt3A_51 = arith.constant 81 : i32
      %lt3A_52 = arith.cmpi slt, %add3A_50, %lt3A_51 : i32
      %convert_element_type3A_53 = arith.extui %lt3A_52 : i1 to i32
      %cond3A_54 = arith.constant 0 : i32
      %cond3A_55 = arith.cmpi ne, %convert_element_type3A_53, %cond3A_54 : i32
      scf.if %cond3A_55 {
        %add3A_114 = arith.constant 3 : i32
        %add3A_115 = arith.addi %add3A_34, %add3A_114 : i32
        %dma_start3A_116 = arith.constant 0 : i32
        %dma_start3A_117 = tpu.memref_slice %arg3[%add3A, %add3A_115, %dma_start3A_116] : memref<32x81x128xi32, #tpu.memory_space<hbm>> -> memref<1x1x128xi32, #tpu.memory_space<hbm>>
        %dma_start3A_118 = tpu.memref_squeeze %dma_start3A_117 : memref<1x1x128xi32, #tpu.memory_space<hbm>> -> memref<128xi32, #tpu.memory_space<hbm>>
        %dma_start3A_119 = arith.constant 0 : i32
        %dma_start3A_120 = tpu.memref_slice %arg3[%add3A, %add3A_115, %dma_start3A_119] : memref<32x81x128xi32, #tpu.memory_space<hbm>> -> memref<1x1x128xi32, #tpu.memory_space<hbm>>
        %dma_start3A_121 = tpu.memref_squeeze %dma_start3A_120 : memref<1x1x128xi32, #tpu.memory_space<hbm>> -> memref<128xi32, #tpu.memory_space<hbm>>
        tpu.enqueue_dma source(%dma_start3A_121 : memref<128xi32, #tpu.memory_space<hbm>>) target(%arg7 : memref<128xi32, #tpu.memory_space<vmem>>) target_semaphore(%arg23 : memref<!tpu.dma_semaphore, #tpu.memory_space<semaphore_mem>>)
      } else {
      }
      %mul3A_56 = arith.constant 3 : i32
      %mul3A_57 = arith.muli %scan3A_30, %mul3A_56 : i32
      %add3A_58 = arith.constant 1 : i32
      %add3A_59 = arith.addi %mul3A_57, %add3A_58 : i32
      %dma_wait3A_60 = arith.constant 0 : i32
      %dma_wait3A_61 = arith.constant 0 : i32
      %dma_wait3A_62 = tpu.memref_slice %arg2[%dma_wait3A_60, %dma_wait3A_61] : memref<10240x128xf32, #tpu.memory_space<hbm>> -> memref<10240x128xf32, #tpu.memory_space<hbm>>
      tpu.wait_indirect_dma semaphore(%arg18 : memref<!tpu.dma_semaphore, #tpu.memory_space<semaphore_mem>>) src(%dma_wait3A_62 : memref<10240x128xf32, #tpu.memory_space<hbm>>) dst(%arg14 : memref<128x128xf32, #tpu.memory_space<vmem>>)
      %ge3A_63 = arith.constant 2 : i32
      %ge3A_64 = arith.cmpi sge, %add3A_59, %ge3A_63 : i32
      %convert_element_type3A_65 = arith.extui %ge3A_64 : i1 to i32
      %cond3A_66 = arith.constant 0 : i32
      %cond3A_67 = arith.cmpi ne, %convert_element_type3A_65, %cond3A_66 : i32
      scf.if %cond3A_67 {
        %dma_wait3A_114 = arith.constant 0 : i32
        %dma_wait3A_115 = tpu.memref_slice %arg4[%add3A, %add3A_59, %dma_wait3A_114] : memref<32x81x128xi32, #tpu.memory_space<hbm>> -> memref<1x1x128xi32, #tpu.memory_space<hbm>>
        %dma_wait3A_116 = tpu.memref_squeeze %dma_wait3A_115 : memref<1x1x128xi32, #tpu.memory_space<hbm>> -> memref<128xi32, #tpu.memory_space<hbm>>
        %dma_wait3A_117 = arith.constant 0 : i32
        %dma_wait3A_118 = tpu.memref_slice %arg4[%add3A, %add3A_59, %dma_wait3A_117] : memref<32x81x128xi32, #tpu.memory_space<hbm>> -> memref<1x1x128xi32, #tpu.memory_space<hbm>>
        %dma_wait3A_119 = tpu.memref_squeeze %dma_wait3A_118 : memref<1x1x128xi32, #tpu.memory_space<hbm>> -> memref<128xi32, #tpu.memory_space<hbm>>
        tpu.wait_dma2 semaphore(%arg27 : memref<!tpu.dma_semaphore, #tpu.memory_space<semaphore_mem>>) src(%dma_wait3A_119 : memref<128xi32, #tpu.memory_space<hbm>>) dst(%arg11 : memref<128xi32, #tpu.memory_space<vmem>>)
      } else {
      }
      %dma_start3A_68 = arith.constant 0 : i32
      %dma_start3A_69 = arith.constant 0 : i32
      %dma_start3A_70 = tpu.memref_slice %arg16[%dma_start3A_68, %dma_start3A_69] : memref<10112x128xf32, #tpu.memory_space<vmem_shared>> -> memref<10112x128xf32, #tpu.memory_space<vmem_shared>>
      tpu.enqueue_indirect_dma source(%arg14 : memref<128x128xf32, #tpu.memory_space<vmem>>) target(%dma_start3A_70 : memref<10112x128xf32, #tpu.memory_space<vmem_shared>>) offsets(%arg11 : memref<128xi32, #tpu.memory_space<vmem>>) semaphore(%arg21 : memref<!tpu.dma_semaphore, #tpu.memory_space<semaphore_mem>>) {add = true}
      %add3A_71 = arith.constant 2 : i32
      %add3A_72 = arith.addi %add3A_59, %add3A_71 : i32
      %lt3A_73 = arith.constant 81 : i32
      %lt3A_74 = arith.cmpi slt, %add3A_72, %lt3A_73 : i32
      %convert_element_type3A_75 = arith.extui %lt3A_74 : i1 to i32
      %cond3A_76 = arith.constant 0 : i32
      %cond3A_77 = arith.cmpi ne, %convert_element_type3A_75, %cond3A_76 : i32
      scf.if %cond3A_77 {
        %ge3A_114 = arith.constant 1 : i32
        %ge3A_115 = arith.cmpi sge, %add3A_59, %ge3A_114 : i32
        %convert_element_type3A_116 = arith.extui %ge3A_115 : i1 to i32
        %cond3A_117 = arith.constant 0 : i32
        %cond3A_118 = arith.cmpi ne, %convert_element_type3A_116, %cond3A_117 : i32
        scf.if %cond3A_118 {
          %dma_wait3A_135 = arith.constant 0 : i32
          %dma_wait3A_136 = arith.constant 0 : i32
          %dma_wait3A_137 = tpu.memref_slice %arg16[%dma_wait3A_135, %dma_wait3A_136] : memref<10112x128xf32, #tpu.memory_space<vmem_shared>> -> memref<10112x128xf32, #tpu.memory_space<vmem_shared>>
          tpu.wait_indirect_dma semaphore(%arg20 : memref<!tpu.dma_semaphore, #tpu.memory_space<semaphore_mem>>) src(%arg13 : memref<128x128xf32, #tpu.memory_space<vmem>>) dst(%dma_wait3A_137 : memref<10112x128xf32, #tpu.memory_space<vmem_shared>>)
        } else {
        }
        %add3A_119 = arith.constant 2 : i32
        %add3A_120 = arith.addi %add3A_59, %add3A_119 : i32
        %dma_start3A_121 = arith.constant 0 : i32
        %dma_start3A_122 = tpu.memref_slice %arg4[%add3A, %add3A_120, %dma_start3A_121] : memref<32x81x128xi32, #tpu.memory_space<hbm>> -> memref<1x1x128xi32, #tpu.memory_space<hbm>>
        %dma_start3A_123 = tpu.memref_squeeze %dma_start3A_122 : memref<1x1x128xi32, #tpu.memory_space<hbm>> -> memref<128xi32, #tpu.memory_space<hbm>>
        %dma_start3A_124 = arith.constant 0 : i32
        %dma_start3A_125 = tpu.memref_slice %arg4[%add3A, %add3A_120, %dma_start3A_124] : memref<32x81x128xi32, #tpu.memory_space<hbm>> -> memref<1x1x128xi32, #tpu.memory_space<hbm>>
        %dma_start3A_126 = tpu.memref_squeeze %dma_start3A_125 : memref<1x1x128xi32, #tpu.memory_space<hbm>> -> memref<128xi32, #tpu.memory_space<hbm>>
        tpu.enqueue_dma source(%dma_start3A_126 : memref<128xi32, #tpu.memory_space<hbm>>) target(%arg10 : memref<128xi32, #tpu.memory_space<vmem>>) target_semaphore(%arg26 : memref<!tpu.dma_semaphore, #tpu.memory_space<semaphore_mem>>)
        %ge3A_127 = arith.constant 1 : i32
        %ge3A_128 = arith.cmpi sge, %add3A_59, %ge3A_127 : i32
        %convert_element_type3A_129 = arith.extui %ge3A_128 : i1 to i32
        %cond3A_130 = arith.constant 0 : i32
        %cond3A_131 = arith.cmpi ne, %convert_element_type3A_129, %cond3A_130 : i32
        scf.if %cond3A_131 {
          %add3A_135 = arith.constant 2 : i32
          %add3A_136 = arith.addi %add3A_59, %add3A_135 : i32
          %dma_wait3A_137 = arith.constant 0 : i32
          %dma_wait3A_138 = tpu.memref_slice %arg3[%add3A, %add3A_136, %dma_wait3A_137] : memref<32x81x128xi32, #tpu.memory_space<hbm>> -> memref<1x1x128xi32, #tpu.memory_space<hbm>>
          %dma_wait3A_139 = tpu.memref_squeeze %dma_wait3A_138 : memref<1x1x128xi32, #tpu.memory_space<hbm>> -> memref<128xi32, #tpu.memory_space<hbm>>
          %dma_wait3A_140 = arith.constant 0 : i32
          %dma_wait3A_141 = tpu.memref_slice %arg3[%add3A, %add3A_136, %dma_wait3A_140] : memref<32x81x128xi32, #tpu.memory_space<hbm>> -> memref<1x1x128xi32, #tpu.memory_space<hbm>>
          %dma_wait3A_142 = tpu.memref_squeeze %dma_wait3A_141 : memref<1x1x128xi32, #tpu.memory_space<hbm>> -> memref<128xi32, #tpu.memory_space<hbm>>
          tpu.wait_dma2 semaphore(%arg23 : memref<!tpu.dma_semaphore, #tpu.memory_space<semaphore_mem>>) src(%dma_wait3A_142 : memref<128xi32, #tpu.memory_space<hbm>>) dst(%arg7 : memref<128xi32, #tpu.memory_space<vmem>>)
        } else {
        }
        %dma_start3A_132 = arith.constant 0 : i32
        %dma_start3A_133 = arith.constant 0 : i32
        %dma_start3A_134 = tpu.memref_slice %arg2[%dma_start3A_132, %dma_start3A_133] : memref<10240x128xf32, #tpu.memory_space<hbm>> -> memref<10240x128xf32, #tpu.memory_space<hbm>>
        tpu.enqueue_indirect_dma source(%dma_start3A_134 : memref<10240x128xf32, #tpu.memory_space<hbm>>) target(%arg13 : memref<128x128xf32, #tpu.memory_space<vmem>>) offsets(%arg7 : memref<128xi32, #tpu.memory_space<vmem>>) semaphore(%arg17 : memref<!tpu.dma_semaphore, #tpu.memory_space<semaphore_mem>>)
      } else {
      }
      %add3A_78 = arith.constant 3 : i32
      %add3A_79 = arith.addi %add3A_59, %add3A_78 : i32
      %lt3A_80 = arith.constant 81 : i32
      %lt3A_81 = arith.cmpi slt, %add3A_79, %lt3A_80 : i32
      %convert_element_type3A_82 = arith.extui %lt3A_81 : i1 to i32
      %cond3A_83 = arith.constant 0 : i32
      %cond3A_84 = arith.cmpi ne, %convert_element_type3A_82, %cond3A_83 : i32
      scf.if %cond3A_84 {
        %add3A_114 = arith.constant 3 : i32
        %add3A_115 = arith.addi %add3A_59, %add3A_114 : i32
        %dma_start3A_116 = arith.constant 0 : i32
        %dma_start3A_117 = tpu.memref_slice %arg3[%add3A, %add3A_115, %dma_start3A_116] : memref<32x81x128xi32, #tpu.memory_space<hbm>> -> memref<1x1x128xi32, #tpu.memory_space<hbm>>
        %dma_start3A_118 = tpu.memref_squeeze %dma_start3A_117 : memref<1x1x128xi32, #tpu.memory_space<hbm>> -> memref<128xi32, #tpu.memory_space<hbm>>
        %dma_start3A_119 = arith.constant 0 : i32
        %dma_start3A_120 = tpu.memref_slice %arg3[%add3A, %add3A_115, %dma_start3A_119] : memref<32x81x128xi32, #tpu.memory_space<hbm>> -> memref<1x1x128xi32, #tpu.memory_space<hbm>>
        %dma_start3A_121 = tpu.memref_squeeze %dma_start3A_120 : memref<1x1x128xi32, #tpu.memory_space<hbm>> -> memref<128xi32, #tpu.memory_space<hbm>>
        tpu.enqueue_dma source(%dma_start3A_121 : memref<128xi32, #tpu.memory_space<hbm>>) target(%arg8 : memref<128xi32, #tpu.memory_space<vmem>>) target_semaphore(%arg24 : memref<!tpu.dma_semaphore, #tpu.memory_space<semaphore_mem>>)
      } else {
      }
      %mul3A_85 = arith.constant 3 : i32
      %mul3A_86 = arith.muli %scan3A_30, %mul3A_85 : i32
      %add3A_87 = arith.constant 2 : i32
      %add3A_88 = arith.addi %mul3A_86, %add3A_87 : i32
      %dma_wait3A_89 = arith.constant 0 : i32
      %dma_wait3A_90 = arith.constant 0 : i32
      %dma_wait3A_91 = tpu.memref_slice %arg2[%dma_wait3A_89, %dma_wait3A_90] : memref<10240x128xf32, #tpu.memory_space<hbm>> -> memref<10240x128xf32, #tpu.memory_space<hbm>>
      tpu.wait_indirect_dma semaphore(%arg19 : memref<!tpu.dma_semaphore, #tpu.memory_space<semaphore_mem>>) src(%dma_wait3A_91 : memref<10240x128xf32, #tpu.memory_space<hbm>>) dst(%arg15 : memref<128x128xf32, #tpu.memory_space<vmem>>)
      %ge3A_92 = arith.constant 2 : i32
      %ge3A_93 = arith.cmpi sge, %add3A_88, %ge3A_92 : i32
      %convert_element_type3A_94 = arith.extui %ge3A_93 : i1 to i32
      %cond3A_95 = arith.constant 0 : i32
      %cond3A_96 = arith.cmpi ne, %convert_element_type3A_94, %cond3A_95 : i32
      scf.if %cond3A_96 {
        %dma_wait3A_114 = arith.constant 0 : i32
        %dma_wait3A_115 = tpu.memref_slice %arg4[%add3A, %add3A_88, %dma_wait3A_114] : memref<32x81x128xi32, #tpu.memory_space<hbm>> -> memref<1x1x128xi32, #tpu.memory_space<hbm>>
        %dma_wait3A_116 = tpu.memref_squeeze %dma_wait3A_115 : memref<1x1x128xi32, #tpu.memory_space<hbm>> -> memref<128xi32, #tpu.memory_space<hbm>>
        %dma_wait3A_117 = arith.constant 0 : i32
        %dma_wait3A_118 = tpu.memref_slice %arg4[%add3A, %add3A_88, %dma_wait3A_117] : memref<32x81x128xi32, #tpu.memory_space<hbm>> -> memref<1x1x128xi32, #tpu.memory_space<hbm>>
        %dma_wait3A_119 = tpu.memref_squeeze %dma_wait3A_118 : memref<1x1x128xi32, #tpu.memory_space<hbm>> -> memref<128xi32, #tpu.memory_space<hbm>>
        tpu.wait_dma2 semaphore(%arg28 : memref<!tpu.dma_semaphore, #tpu.memory_space<semaphore_mem>>) src(%dma_wait3A_119 : memref<128xi32, #tpu.memory_space<hbm>>) dst(%arg12 : memref<128xi32, #tpu.memory_space<vmem>>)
      } else {
      }
      %dma_start3A_97 = arith.constant 0 : i32
      %dma_start3A_98 = arith.constant 0 : i32
      %dma_start3A_99 = tpu.memref_slice %arg16[%dma_start3A_97, %dma_start3A_98] : memref<10112x128xf32, #tpu.memory_space<vmem_shared>> -> memref<10112x128xf32, #tpu.memory_space<vmem_shared>>
      tpu.enqueue_indirect_dma source(%arg15 : memref<128x128xf32, #tpu.memory_space<vmem>>) target(%dma_start3A_99 : memref<10112x128xf32, #tpu.memory_space<vmem_shared>>) offsets(%arg12 : memref<128xi32, #tpu.memory_space<vmem>>) semaphore(%arg22 : memref<!tpu.dma_semaphore, #tpu.memory_space<semaphore_mem>>) {add = true}
      %add3A_100 = arith.constant 2 : i32
      %add3A_101 = arith.addi %add3A_88, %add3A_100 : i32
      %lt3A_102 = arith.constant 81 : i32
      %lt3A_103 = arith.cmpi slt, %add3A_101, %lt3A_102 : i32
      %convert_element_type3A_104 = arith.extui %lt3A_103 : i1 to i32
      %cond3A_105 = arith.constant 0 : i32
      %cond3A_106 = arith.cmpi ne, %convert_element_type3A_104, %cond3A_105 : i32
      scf.if %cond3A_106 {
        %ge3A_114 = arith.constant 1 : i32
        %ge3A_115 = arith.cmpi sge, %add3A_88, %ge3A_114 : i32
        %convert_element_type3A_116 = arith.extui %ge3A_115 : i1 to i32
        %cond3A_117 = arith.constant 0 : i32
        %cond3A_118 = arith.cmpi ne, %convert_element_type3A_116, %cond3A_117 : i32
        scf.if %cond3A_118 {
          %dma_wait3A_135 = arith.constant 0 : i32
          %dma_wait3A_136 = arith.constant 0 : i32
          %dma_wait3A_137 = tpu.memref_slice %arg16[%dma_wait3A_135, %dma_wait3A_136] : memref<10112x128xf32, #tpu.memory_space<vmem_shared>> -> memref<10112x128xf32, #tpu.memory_space<vmem_shared>>
          tpu.wait_indirect_dma semaphore(%arg21 : memref<!tpu.dma_semaphore, #tpu.memory_space<semaphore_mem>>) src(%arg14 : memref<128x128xf32, #tpu.memory_space<vmem>>) dst(%dma_wait3A_137 : memref<10112x128xf32, #tpu.memory_space<vmem_shared>>)
        } else {
        }
        %add3A_119 = arith.constant 2 : i32
        %add3A_120 = arith.addi %add3A_88, %add3A_119 : i32
        %dma_start3A_121 = arith.constant 0 : i32
        %dma_start3A_122 = tpu.memref_slice %arg4[%add3A, %add3A_120, %dma_start3A_121] : memref<32x81x128xi32, #tpu.memory_space<hbm>> -> memref<1x1x128xi32, #tpu.memory_space<hbm>>
        %dma_start3A_123 = tpu.memref_squeeze %dma_start3A_122 : memref<1x1x128xi32, #tpu.memory_space<hbm>> -> memref<128xi32, #tpu.memory_space<hbm>>
        %dma_start3A_124 = arith.constant 0 : i32
        %dma_start3A_125 = tpu.memref_slice %arg4[%add3A, %add3A_120, %dma_start3A_124] : memref<32x81x128xi32, #tpu.memory_space<hbm>> -> memref<1x1x128xi32, #tpu.memory_space<hbm>>
        %dma_start3A_126 = tpu.memref_squeeze %dma_start3A_125 : memref<1x1x128xi32, #tpu.memory_space<hbm>> -> memref<128xi32, #tpu.memory_space<hbm>>
        tpu.enqueue_dma source(%dma_start3A_126 : memref<128xi32, #tpu.memory_space<hbm>>) target(%arg11 : memref<128xi32, #tpu.memory_space<vmem>>) target_semaphore(%arg27 : memref<!tpu.dma_semaphore, #tpu.memory_space<semaphore_mem>>)
        %ge3A_127 = arith.constant 1 : i32
        %ge3A_128 = arith.cmpi sge, %add3A_88, %ge3A_127 : i32
        %convert_element_type3A_129 = arith.extui %ge3A_128 : i1 to i32
        %cond3A_130 = arith.constant 0 : i32
        %cond3A_131 = arith.cmpi ne, %convert_element_type3A_129, %cond3A_130 : i32
        scf.if %cond3A_131 {
          %add3A_135 = arith.constant 2 : i32
          %add3A_136 = arith.addi %add3A_88, %add3A_135 : i32
          %dma_wait3A_137 = arith.constant 0 : i32
          %dma_wait3A_138 = tpu.memref_slice %arg3[%add3A, %add3A_136, %dma_wait3A_137] : memref<32x81x128xi32, #tpu.memory_space<hbm>> -> memref<1x1x128xi32, #tpu.memory_space<hbm>>
          %dma_wait3A_139 = tpu.memref_squeeze %dma_wait3A_138 : memref<1x1x128xi32, #tpu.memory_space<hbm>> -> memref<128xi32, #tpu.memory_space<hbm>>
          %dma_wait3A_140 = arith.constant 0 : i32
          %dma_wait3A_141 = tpu.memref_slice %arg3[%add3A, %add3A_136, %dma_wait3A_140] : memref<32x81x128xi32, #tpu.memory_space<hbm>> -> memref<1x1x128xi32, #tpu.memory_space<hbm>>
          %dma_wait3A_142 = tpu.memref_squeeze %dma_wait3A_141 : memref<1x1x128xi32, #tpu.memory_space<hbm>> -> memref<128xi32, #tpu.memory_space<hbm>>
          tpu.wait_dma2 semaphore(%arg24 : memref<!tpu.dma_semaphore, #tpu.memory_space<semaphore_mem>>) src(%dma_wait3A_142 : memref<128xi32, #tpu.memory_space<hbm>>) dst(%arg8 : memref<128xi32, #tpu.memory_space<vmem>>)
        } else {
        }
        %dma_start3A_132 = arith.constant 0 : i32
        %dma_start3A_133 = arith.constant 0 : i32
        %dma_start3A_134 = tpu.memref_slice %arg2[%dma_start3A_132, %dma_start3A_133] : memref<10240x128xf32, #tpu.memory_space<hbm>> -> memref<10240x128xf32, #tpu.memory_space<hbm>>
        tpu.enqueue_indirect_dma source(%dma_start3A_134 : memref<10240x128xf32, #tpu.memory_space<hbm>>) target(%arg14 : memref<128x128xf32, #tpu.memory_space<vmem>>) offsets(%arg8 : memref<128xi32, #tpu.memory_space<vmem>>) semaphore(%arg18 : memref<!tpu.dma_semaphore, #tpu.memory_space<semaphore_mem>>)
      } else {
      }
      %add3A_107 = arith.constant 3 : i32
      %add3A_108 = arith.addi %add3A_88, %add3A_107 : i32
      %lt3A_109 = arith.constant 81 : i32
      %lt3A_110 = arith.cmpi slt, %add3A_108, %lt3A_109 : i32
      %convert_element_type3A_111 = arith.extui %lt3A_110 : i1 to i32
      %cond3A_112 = arith.constant 0 : i32
      %cond3A_113 = arith.cmpi ne, %convert_element_type3A_111, %cond3A_112 : i32
      scf.if %cond3A_113 {
        %add3A_114 = arith.constant 3 : i32
        %add3A_115 = arith.addi %add3A_88, %add3A_114 : i32
        %dma_start3A_116 = arith.constant 0 : i32
        %dma_start3A_117 = tpu.memref_slice %arg3[%add3A, %add3A_115, %dma_start3A_116] : memref<32x81x128xi32, #tpu.memory_space<hbm>> -> memref<1x1x128xi32, #tpu.memory_space<hbm>>
        %dma_start3A_118 = tpu.memref_squeeze %dma_start3A_117 : memref<1x1x128xi32, #tpu.memory_space<hbm>> -> memref<128xi32, #tpu.memory_space<hbm>>
        %dma_start3A_119 = arith.constant 0 : i32
        %dma_start3A_120 = tpu.memref_slice %arg3[%add3A, %add3A_115, %dma_start3A_119] : memref<32x81x128xi32, #tpu.memory_space<hbm>> -> memref<1x1x128xi32, #tpu.memory_space<hbm>>
        %dma_start3A_121 = tpu.memref_squeeze %dma_start3A_120 : memref<1x1x128xi32, #tpu.memory_space<hbm>> -> memref<128xi32, #tpu.memory_space<hbm>>
        tpu.enqueue_dma source(%dma_start3A_121 : memref<128xi32, #tpu.memory_space<hbm>>) target(%arg9 : memref<128xi32, #tpu.memory_space<vmem>>) target_semaphore(%arg25 : memref<!tpu.dma_semaphore, #tpu.memory_space<semaphore_mem>>)
      } else {
      }
    }
    %scan3A_16 = arith.constant 27 : i32
    %dma_wait3A = arith.constant 0 : i32
    %dma_wait3A_17 = arith.constant 0 : i32
    %dma_wait3A_18 = tpu.memref_slice %arg16[%dma_wait3A, %dma_wait3A_17] : memref<10112x128xf32, #tpu.memory_space<vmem_shared>> -> memref<10112x128xf32, #tpu.memory_space<vmem_shared>>
    tpu.wait_indirect_dma semaphore(%arg20 : memref<!tpu.dma_semaphore, #tpu.memory_space<semaphore_mem>>) src(%arg13 : memref<128x128xf32, #tpu.memory_space<vmem>>) dst(%dma_wait3A_18 : memref<10112x128xf32, #tpu.memory_space<vmem_shared>>)
    %dma_wait3A_19 = arith.constant 0 : i32
    %dma_wait3A_20 = arith.constant 0 : i32
    %dma_wait3A_21 = tpu.memref_slice %arg16[%dma_wait3A_19, %dma_wait3A_20] : memref<10112x128xf32, #tpu.memory_space<vmem_shared>> -> memref<10112x128xf32, #tpu.memory_space<vmem_shared>>
    tpu.wait_indirect_dma semaphore(%arg21 : memref<!tpu.dma_semaphore, #tpu.memory_space<semaphore_mem>>) src(%arg14 : memref<128x128xf32, #tpu.memory_space<vmem>>) dst(%dma_wait3A_21 : memref<10112x128xf32, #tpu.memory_space<vmem_shared>>)
    %dma_wait3A_22 = arith.constant 0 : i32
    %dma_wait3A_23 = arith.constant 0 : i32
    %dma_wait3A_24 = tpu.memref_slice %arg16[%dma_wait3A_22, %dma_wait3A_23] : memref<10112x128xf32, #tpu.memory_space<vmem_shared>> -> memref<10112x128xf32, #tpu.memory_space<vmem_shared>>
    tpu.wait_indirect_dma semaphore(%arg22 : memref<!tpu.dma_semaphore, #tpu.memory_space<semaphore_mem>>) src(%arg15 : memref<128x128xf32, #tpu.memory_space<vmem>>) dst(%dma_wait3A_24 : memref<10112x128xf32, #tpu.memory_space<vmem_shared>>)
    %barrier3A_25 = arith.constant 0 : index
    tpu.barrier barrier_id(%barrier3A_25)
    %mul3A_26 = arith.constant 632 : i32
    %mul3A_27 = arith.muli %arg1, %mul3A_26 : i32
    %mul3A_28 = arith.constant 632 : i32
    %mul3A_29 = arith.muli %arg1, %mul3A_28 : i32
    "tpu.region"() ({
      %run_scoped3A_30 = tpu.sem_alloc : memref<!tpu.dma_semaphore, #tpu.memory_space<semaphore_mem>>
      %dma_start3A_31 = arith.constant 0 : i32
      %dma_start3A_32 = tpu.memref_slice %arg6[%arg0, %mul3A_29, %dma_start3A_31] : memref<2x10240x128xf32, #tpu.memory_space<hbm>> -> memref<1x632x128xf32, #tpu.memory_space<hbm>>
      %dma_start3A_33 = tpu.memref_squeeze %dma_start3A_32 : memref<1x632x128xf32, #tpu.memory_space<hbm>> -> memref<632x128xf32, #tpu.memory_space<hbm>>
      %dma_start3A_34 = arith.constant 0 : i32
      %dma_start3A_35 = tpu.memref_slice %arg16[%mul3A_27, %dma_start3A_34] : memref<10112x128xf32, #tpu.memory_space<vmem_shared>> -> memref<632x128xf32, #tpu.memory_space<vmem_shared>>
      tpu.enqueue_dma source(%dma_start3A_35 : memref<632x128xf32, #tpu.memory_space<vmem_shared>>) target(%dma_start3A_33 : memref<632x128xf32, #tpu.memory_space<hbm>>) target_semaphore(%run_scoped3A_30 : memref<!tpu.dma_semaphore, #tpu.memory_space<semaphore_mem>>)
      %dma_wait3A_36 = arith.constant 0 : i32
      %dma_wait3A_37 = tpu.memref_slice %arg6[%arg0, %mul3A_29, %dma_wait3A_36] : memref<2x10240x128xf32, #tpu.memory_space<hbm>> -> memref<1x632x128xf32, #tpu.memory_space<hbm>>
      %dma_wait3A_38 = tpu.memref_squeeze %dma_wait3A_37 : memref<1x632x128xf32, #tpu.memory_space<hbm>> -> memref<632x128xf32, #tpu.memory_space<hbm>>
      %dma_wait3A_39 = arith.constant 0 : i32
      %dma_wait3A_40 = tpu.memref_slice %arg16[%mul3A_27, %dma_wait3A_39] : memref<10112x128xf32, #tpu.memory_space<vmem_shared>> -> memref<632x128xf32, #tpu.memory_space<vmem_shared>>
      tpu.wait_dma2 semaphore(%run_scoped3A_30 : memref<!tpu.dma_semaphore, #tpu.memory_space<semaphore_mem>>) src(%dma_wait3A_40 : memref<632x128xf32, #tpu.memory_space<vmem_shared>>) dst(%dma_wait3A_38 : memref<632x128xf32, #tpu.memory_space<hbm>>)
      tpu.yield
    }) : () -> ()
    return
  }
}

#map = affine_map<(d0, d1) -> (0, 0)>
#map1 = affine_map<(d0, d1) -> (0, 0, 0)>
module attributes {stable_mosaic.version = 14 : i64} {
  func.func @_sc_segment_sum(%arg0: i32, %arg1: i32, %arg2: memref<10240x128xf32, #tpu.memory_space<hbm>>, %arg3: memref<32x81x128xi32, #tpu.memory_space<hbm>>, %arg4: memref<32x81x128xi32, #tpu.memory_space<hbm>>, %arg5: memref<632x128xf32, #tpu.memory_space<hbm>>, %arg6: memref<2x10240x128xf32, #tpu.memory_space<hbm>>, %arg7: memref<128xi32, #tpu.memory_space<vmem>>, %arg8: memref<128xi32, #tpu.memory_space<vmem>>, %arg9: memref<128xi32, #tpu.memory_space<vmem>>, %arg10: memref<128xi32, #tpu.memory_space<vmem>>, %arg11: memref<128xi32, #tpu.memory_space<vmem>>, %arg12: memref<128xi32, #tpu.memory_space<vmem>>, %arg13: memref<128x128xf32, #tpu.memory_space<vmem>>, %arg14: memref<128x128xf32, #tpu.memory_space<vmem>>, %arg15: memref<128x128xf32, #tpu.memory_space<vmem>>, %arg16: memref<10112x128xf32, #tpu.memory_space<vmem_shared>>, %arg17: memref<!tpu.dma_semaphore, #tpu.memory_space<semaphore_mem>>, %arg18: memref<!tpu.dma_semaphore, #tpu.memory_space<semaphore_mem>>, %arg19: memref<!tpu.dma_semaphore, #tpu.memory_space<semaphore_mem>>, %arg20: memref<!tpu.dma_semaphore, #tpu.memory_space<semaphore_mem>>, %arg21: memref<!tpu.dma_semaphore, #tpu.memory_space<semaphore_mem>>, %arg22: memref<!tpu.dma_semaphore, #tpu.memory_space<semaphore_mem>>, %arg23: memref<!tpu.dma_semaphore, #tpu.memory_space<semaphore_mem>>, %arg24: memref<!tpu.dma_semaphore, #tpu.memory_space<semaphore_mem>>, %arg25: memref<!tpu.dma_semaphore, #tpu.memory_space<semaphore_mem>>, %arg26: memref<!tpu.dma_semaphore, #tpu.memory_space<semaphore_mem>>, %arg27: memref<!tpu.dma_semaphore, #tpu.memory_space<semaphore_mem>>, %arg28: memref<!tpu.dma_semaphore, #tpu.memory_space<semaphore_mem>>) attributes {dimension_semantics = [#tpu.dimension_semantics<core_parallel>, #tpu.dimension_semantics<subcore_parallel>], iteration_bounds = array<i64: 2, 16>, scalar_prefetch = 0 : i64, scratch_operands = 22 : i64, tpu.core_type = #tpu.core_type<sc_vector_subcore>, window_params = [{transform_indices = #map}, {transform_indices = #map1}, {transform_indices = #map1}, {transform_indices = #map}, {transform_indices = #map1}]} {
    %mul3A = arith.constant 16 : i32
    %mul3A_0 = arith.muli %arg0, %mul3A : i32
    %add3A = arith.addi %mul3A_0, %arg1 : i32
    %mul3A_1 = arith.constant 632 : i32
    %mul3A_2 = arith.muli %arg1, %mul3A_1 : i32
    "tpu.region"() ({
      %run_scoped3A_30 = tpu.sem_alloc : memref<!tpu.dma_semaphore, #tpu.memory_space<semaphore_mem>>
      %dma_start3A_31 = arith.constant 0 : i32
      %dma_start3A_32 = tpu.memref_slice %arg16[%mul3A_2, %dma_start3A_31] : memref<10112x128xf32, #tpu.memory_space<vmem_shared>> -> memref<632x128xf32, #tpu.memory_space<vmem_shared>>
      tpu.enqueue_dma source(%arg5 : memref<632x128xf32, #tpu.memory_space<hbm>>) target(%dma_start3A_32 : memref<632x128xf32, #tpu.memory_space<vmem_shared>>) target_semaphore(%run_scoped3A_30 : memref<!tpu.dma_semaphore, #tpu.memory_space<semaphore_mem>>)
      %dma_wait3A_33 = arith.constant 0 : i32
      %dma_wait3A_34 = tpu.memref_slice %arg16[%mul3A_2, %dma_wait3A_33] : memref<10112x128xf32, #tpu.memory_space<vmem_shared>> -> memref<632x128xf32, #tpu.memory_space<vmem_shared>>
      tpu.wait_dma2 semaphore(%run_scoped3A_30 : memref<!tpu.dma_semaphore, #tpu.memory_space<semaphore_mem>>) src(%arg5 : memref<632x128xf32, #tpu.memory_space<hbm>>) dst(%dma_wait3A_34 : memref<632x128xf32, #tpu.memory_space<vmem_shared>>)
      tpu.yield
    }) : () -> ()
    %barrier3A = arith.constant 0 : index
    tpu.barrier barrier_id(%barrier3A)
    %run_scoped3A = arith.constant 0 : i32
    "tpu.region"() ({
      %run_scoped3A_30 = tpu.sem_alloc : memref<!tpu.dma_semaphore, #tpu.memory_space<semaphore_mem>>
      %dma_start3A_31 = arith.constant 0 : i32
      %dma_start3A_32 = tpu.memref_slice %arg3[%add3A, %run_scoped3A, %dma_start3A_31] : memref<32x81x128xi32, #tpu.memory_space<hbm>> -> memref<1x1x128xi32, #tpu.memory_space<hbm>>
      %dma_start3A_33 = tpu.memref_squeeze %dma_start3A_32 : memref<1x1x128xi32, #tpu.memory_space<hbm>> -> memref<128xi32, #tpu.memory_space<hbm>>
      %dma_start3A_34 = arith.constant 0 : i32
      %dma_start3A_35 = tpu.memref_slice %arg3[%add3A, %run_scoped3A, %dma_start3A_34] : memref<32x81x128xi32, #tpu.memory_space<hbm>> -> memref<1x1x128xi32, #tpu.memory_space<hbm>>
      %dma_start3A_36 = tpu.memref_squeeze %dma_start3A_35 : memref<1x1x128xi32, #tpu.memory_space<hbm>> -> memref<128xi32, #tpu.memory_space<hbm>>
      tpu.enqueue_dma source(%dma_start3A_36 : memref<128xi32, #tpu.memory_space<hbm>>) target(%arg7 : memref<128xi32, #tpu.memory_space<vmem>>) target_semaphore(%run_scoped3A_30 : memref<!tpu.dma_semaphore, #tpu.memory_space<semaphore_mem>>)
      %dma_wait3A_37 = arith.constant 0 : i32
      %dma_wait3A_38 = tpu.memref_slice %arg3[%add3A, %run_scoped3A, %dma_wait3A_37] : memref<32x81x128xi32, #tpu.memory_space<hbm>> -> memref<1x1x128xi32, #tpu.memory_space<hbm>>
      %dma_wait3A_39 = tpu.memref_squeeze %dma_wait3A_38 : memref<1x1x128xi32, #tpu.memory_space<hbm>> -> memref<128xi32, #tpu.memory_space<hbm>>
      %dma_wait3A_40 = arith.constant 0 : i32
      %dma_wait3A_41 = tpu.memref_slice %arg3[%add3A, %run_scoped3A, %dma_wait3A_40] : memref<32x81x128xi32, #tpu.memory_space<hbm>> -> memref<1x1x128xi32, #tpu.memory_space<hbm>>
      %dma_wait3A_42 = tpu.memref_squeeze %dma_wait3A_41 : memref<1x1x128xi32, #tpu.memory_space<hbm>> -> memref<128xi32, #tpu.memory_space<hbm>>
      tpu.wait_dma2 semaphore(%run_scoped3A_30 : memref<!tpu.dma_semaphore, #tpu.memory_space<semaphore_mem>>) src(%dma_wait3A_42 : memref<128xi32, #tpu.memory_space<hbm>>) dst(%arg7 : memref<128xi32, #tpu.memory_space<vmem>>)
      tpu.yield
    }) : () -> ()
    %run_scoped3A_3 = arith.constant 1 : i32
    "tpu.region"() ({
      %run_scoped3A_30 = tpu.sem_alloc : memref<!tpu.dma_semaphore, #tpu.memory_space<semaphore_mem>>
      %dma_start3A_31 = arith.constant 0 : i32
      %dma_start3A_32 = tpu.memref_slice %arg3[%add3A, %run_scoped3A_3, %dma_start3A_31] : memref<32x81x128xi32, #tpu.memory_space<hbm>> -> memref<1x1x128xi32, #tpu.memory_space<hbm>>
      %dma_start3A_33 = tpu.memref_squeeze %dma_start3A_32 : memref<1x1x128xi32, #tpu.memory_space<hbm>> -> memref<128xi32, #tpu.memory_space<hbm>>
      %dma_start3A_34 = arith.constant 0 : i32
      %dma_start3A_35 = tpu.memref_slice %arg3[%add3A, %run_scoped3A_3, %dma_start3A_34] : memref<32x81x128xi32, #tpu.memory_space<hbm>> -> memref<1x1x128xi32, #tpu.memory_space<hbm>>
      %dma_start3A_36 = tpu.memref_squeeze %dma_start3A_35 : memref<1x1x128xi32, #tpu.memory_space<hbm>> -> memref<128xi32, #tpu.memory_space<hbm>>
      tpu.enqueue_dma source(%dma_start3A_36 : memref<128xi32, #tpu.memory_space<hbm>>) target(%arg8 : memref<128xi32, #tpu.memory_space<vmem>>) target_semaphore(%run_scoped3A_30 : memref<!tpu.dma_semaphore, #tpu.memory_space<semaphore_mem>>)
      %dma_wait3A_37 = arith.constant 0 : i32
      %dma_wait3A_38 = tpu.memref_slice %arg3[%add3A, %run_scoped3A_3, %dma_wait3A_37] : memref<32x81x128xi32, #tpu.memory_space<hbm>> -> memref<1x1x128xi32, #tpu.memory_space<hbm>>
      %dma_wait3A_39 = tpu.memref_squeeze %dma_wait3A_38 : memref<1x1x128xi32, #tpu.memory_space<hbm>> -> memref<128xi32, #tpu.memory_space<hbm>>
      %dma_wait3A_40 = arith.constant 0 : i32
      %dma_wait3A_41 = tpu.memref_slice %arg3[%add3A, %run_scoped3A_3, %dma_wait3A_40] : memref<32x81x128xi32, #tpu.memory_space<hbm>> -> memref<1x1x128xi32, #tpu.memory_space<hbm>>
      %dma_wait3A_42 = tpu.memref_squeeze %dma_wait3A_41 : memref<1x1x128xi32, #tpu.memory_space<hbm>> -> memref<128xi32, #tpu.memory_space<hbm>>
      tpu.wait_dma2 semaphore(%run_scoped3A_30 : memref<!tpu.dma_semaphore, #tpu.memory_space<semaphore_mem>>) src(%dma_wait3A_42 : memref<128xi32, #tpu.memory_space<hbm>>) dst(%arg8 : memref<128xi32, #tpu.memory_space<vmem>>)
      tpu.yield
    }) : () -> ()
    %run_scoped3A_4 = arith.constant 2 : i32
    "tpu.region"() ({
      %run_scoped3A_30 = tpu.sem_alloc : memref<!tpu.dma_semaphore, #tpu.memory_space<semaphore_mem>>
      %dma_start3A_31 = arith.constant 0 : i32
      %dma_start3A_32 = tpu.memref_slice %arg3[%add3A, %run_scoped3A_4, %dma_start3A_31] : memref<32x81x128xi32, #tpu.memory_space<hbm>> -> memref<1x1x128xi32, #tpu.memory_space<hbm>>
      %dma_start3A_33 = tpu.memref_squeeze %dma_start3A_32 : memref<1x1x128xi32, #tpu.memory_space<hbm>> -> memref<128xi32, #tpu.memory_space<hbm>>
      %dma_start3A_34 = arith.constant 0 : i32
      %dma_start3A_35 = tpu.memref_slice %arg3[%add3A, %run_scoped3A_4, %dma_start3A_34] : memref<32x81x128xi32, #tpu.memory_space<hbm>> -> memref<1x1x128xi32, #tpu.memory_space<hbm>>
      %dma_start3A_36 = tpu.memref_squeeze %dma_start3A_35 : memref<1x1x128xi32, #tpu.memory_space<hbm>> -> memref<128xi32, #tpu.memory_space<hbm>>
      tpu.enqueue_dma source(%dma_start3A_36 : memref<128xi32, #tpu.memory_space<hbm>>) target(%arg9 : memref<128xi32, #tpu.memory_space<vmem>>) target_semaphore(%run_scoped3A_30 : memref<!tpu.dma_semaphore, #tpu.memory_space<semaphore_mem>>)
      %dma_wait3A_37 = arith.constant 0 : i32
      %dma_wait3A_38 = tpu.memref_slice %arg3[%add3A, %run_scoped3A_4, %dma_wait3A_37] : memref<32x81x128xi32, #tpu.memory_space<hbm>> -> memref<1x1x128xi32, #tpu.memory_space<hbm>>
      %dma_wait3A_39 = tpu.memref_squeeze %dma_wait3A_38 : memref<1x1x128xi32, #tpu.memory_space<hbm>> -> memref<128xi32, #tpu.memory_space<hbm>>
      %dma_wait3A_40 = arith.constant 0 : i32
      %dma_wait3A_41 = tpu.memref_slice %arg3[%add3A, %run_scoped3A_4, %dma_wait3A_40] : memref<32x81x128xi32, #tpu.memory_space<hbm>> -> memref<1x1x128xi32, #tpu.memory_space<hbm>>
      %dma_wait3A_42 = tpu.memref_squeeze %dma_wait3A_41 : memref<1x1x128xi32, #tpu.memory_space<hbm>> -> memref<128xi32, #tpu.memory_space<hbm>>
      tpu.wait_dma2 semaphore(%run_scoped3A_30 : memref<!tpu.dma_semaphore, #tpu.memory_space<semaphore_mem>>) src(%dma_wait3A_42 : memref<128xi32, #tpu.memory_space<hbm>>) dst(%arg9 : memref<128xi32, #tpu.memory_space<vmem>>)
      tpu.yield
    }) : () -> ()
    %run_scoped3A_5 = arith.constant 0 : i32
    "tpu.region"() ({
      %run_scoped3A_30 = tpu.sem_alloc : memref<!tpu.dma_semaphore, #tpu.memory_space<semaphore_mem>>
      %dma_start3A_31 = arith.constant 0 : i32
      %dma_start3A_32 = tpu.memref_slice %arg4[%add3A, %run_scoped3A_5, %dma_start3A_31] : memref<32x81x128xi32, #tpu.memory_space<hbm>> -> memref<1x1x128xi32, #tpu.memory_space<hbm>>
      %dma_start3A_33 = tpu.memref_squeeze %dma_start3A_32 : memref<1x1x128xi32, #tpu.memory_space<hbm>> -> memref<128xi32, #tpu.memory_space<hbm>>
      %dma_start3A_34 = arith.constant 0 : i32
      %dma_start3A_35 = tpu.memref_slice %arg4[%add3A, %run_scoped3A_5, %dma_start3A_34] : memref<32x81x128xi32, #tpu.memory_space<hbm>> -> memref<1x1x128xi32, #tpu.memory_space<hbm>>
      %dma_start3A_36 = tpu.memref_squeeze %dma_start3A_35 : memref<1x1x128xi32, #tpu.memory_space<hbm>> -> memref<128xi32, #tpu.memory_space<hbm>>
      tpu.enqueue_dma source(%dma_start3A_36 : memref<128xi32, #tpu.memory_space<hbm>>) target(%arg10 : memref<128xi32, #tpu.memory_space<vmem>>) target_semaphore(%run_scoped3A_30 : memref<!tpu.dma_semaphore, #tpu.memory_space<semaphore_mem>>)
      %dma_wait3A_37 = arith.constant 0 : i32
      %dma_wait3A_38 = tpu.memref_slice %arg4[%add3A, %run_scoped3A_5, %dma_wait3A_37] : memref<32x81x128xi32, #tpu.memory_space<hbm>> -> memref<1x1x128xi32, #tpu.memory_space<hbm>>
      %dma_wait3A_39 = tpu.memref_squeeze %dma_wait3A_38 : memref<1x1x128xi32, #tpu.memory_space<hbm>> -> memref<128xi32, #tpu.memory_space<hbm>>
      %dma_wait3A_40 = arith.constant 0 : i32
      %dma_wait3A_41 = tpu.memref_slice %arg4[%add3A, %run_scoped3A_5, %dma_wait3A_40] : memref<32x81x128xi32, #tpu.memory_space<hbm>> -> memref<1x1x128xi32, #tpu.memory_space<hbm>>
      %dma_wait3A_42 = tpu.memref_squeeze %dma_wait3A_41 : memref<1x1x128xi32, #tpu.memory_space<hbm>> -> memref<128xi32, #tpu.memory_space<hbm>>
      tpu.wait_dma2 semaphore(%run_scoped3A_30 : memref<!tpu.dma_semaphore, #tpu.memory_space<semaphore_mem>>) src(%dma_wait3A_42 : memref<128xi32, #tpu.memory_space<hbm>>) dst(%arg10 : memref<128xi32, #tpu.memory_space<vmem>>)
      tpu.yield
    }) : () -> ()
    %dma_start3A = arith.constant 0 : i32
    %dma_start3A_6 = arith.constant 0 : i32
    %dma_start3A_7 = tpu.memref_slice %arg2[%dma_start3A, %dma_start3A_6] : memref<10240x128xf32, #tpu.memory_space<hbm>> -> memref<10240x128xf32, #tpu.memory_space<hbm>>
    tpu.enqueue_indirect_dma source(%dma_start3A_7 : memref<10240x128xf32, #tpu.memory_space<hbm>>) target(%arg13 : memref<128x128xf32, #tpu.memory_space<vmem>>) offsets(%arg7 : memref<128xi32, #tpu.memory_space<vmem>>) semaphore(%arg17 : memref<!tpu.dma_semaphore, #tpu.memory_space<semaphore_mem>>)
    %run_scoped3A_8 = arith.constant 1 : i32
    "tpu.region"() ({
      %run_scoped3A_30 = tpu.sem_alloc : memref<!tpu.dma_semaphore, #tpu.memory_space<semaphore_mem>>
      %dma_start3A_31 = arith.constant 0 : i32
      %dma_start3A_32 = tpu.memref_slice %arg4[%add3A, %run_scoped3A_8, %dma_start3A_31] : memref<32x81x128xi32, #tpu.memory_space<hbm>> -> memref<1x1x128xi32, #tpu.memory_space<hbm>>
      %dma_start3A_33 = tpu.memref_squeeze %dma_start3A_32 : memref<1x1x128xi32, #tpu.memory_space<hbm>> -> memref<128xi32, #tpu.memory_space<hbm>>
      %dma_start3A_34 = arith.constant 0 : i32
      %dma_start3A_35 = tpu.memref_slice %arg4[%add3A, %run_scoped3A_8, %dma_start3A_34] : memref<32x81x128xi32, #tpu.memory_space<hbm>> -> memref<1x1x128xi32, #tpu.memory_space<hbm>>
      %dma_start3A_36 = tpu.memref_squeeze %dma_start3A_35 : memref<1x1x128xi32, #tpu.memory_space<hbm>> -> memref<128xi32, #tpu.memory_space<hbm>>
      tpu.enqueue_dma source(%dma_start3A_36 : memref<128xi32, #tpu.memory_space<hbm>>) target(%arg11 : memref<128xi32, #tpu.memory_space<vmem>>) target_semaphore(%run_scoped3A_30 : memref<!tpu.dma_semaphore, #tpu.memory_space<semaphore_mem>>)
      %dma_wait3A_37 = arith.constant 0 : i32
      %dma_wait3A_38 = tpu.memref_slice %arg4[%add3A, %run_scoped3A_8, %dma_wait3A_37] : memref<32x81x128xi32, #tpu.memory_space<hbm>> -> memref<1x1x128xi32, #tpu.memory_space<hbm>>
      %dma_wait3A_39 = tpu.memref_squeeze %dma_wait3A_38 : memref<1x1x128xi32, #tpu.memory_space<hbm>> -> memref<128xi32, #tpu.memory_space<hbm>>
      %dma_wait3A_40 = arith.constant 0 : i32
      %dma_wait3A_41 = tpu.memref_slice %arg4[%add3A, %run_scoped3A_8, %dma_wait3A_40] : memref<32x81x128xi32, #tpu.memory_space<hbm>> -> memref<1x1x128xi32, #tpu.memory_space<hbm>>
      %dma_wait3A_42 = tpu.memref_squeeze %dma_wait3A_41 : memref<1x1x128xi32, #tpu.memory_space<hbm>> -> memref<128xi32, #tpu.memory_space<hbm>>
      tpu.wait_dma2 semaphore(%run_scoped3A_30 : memref<!tpu.dma_semaphore, #tpu.memory_space<semaphore_mem>>) src(%dma_wait3A_42 : memref<128xi32, #tpu.memory_space<hbm>>) dst(%arg11 : memref<128xi32, #tpu.memory_space<vmem>>)
      tpu.yield
    }) : () -> ()
    %dma_start3A_9 = arith.constant 0 : i32
    %dma_start3A_10 = arith.constant 0 : i32
    %dma_start3A_11 = tpu.memref_slice %arg2[%dma_start3A_9, %dma_start3A_10] : memref<10240x128xf32, #tpu.memory_space<hbm>> -> memref<10240x128xf32, #tpu.memory_space<hbm>>
    tpu.enqueue_indirect_dma source(%dma_start3A_11 : memref<10240x128xf32, #tpu.memory_space<hbm>>) target(%arg14 : memref<128x128xf32, #tpu.memory_space<vmem>>) offsets(%arg8 : memref<128xi32, #tpu.memory_space<vmem>>) semaphore(%arg18 : memref<!tpu.dma_semaphore, #tpu.memory_space<semaphore_mem>>)
    %scan3A = arith.constant 0 : i32
    %scan3A_12 = arith.constant 0 : i32
    %scan3A_13 = arith.constant 27 : i32
    %scan3A_14 = arith.addi %scan3A_12, %scan3A_13 : i32
    %scan3A_15 = arith.constant 1 : i32
    scf.for %scan3A_30 = %scan3A_12 to %scan3A_14 step %scan3A_15  : i32 {
      %mul3A_31 = arith.constant 3 : i32
      %mul3A_32 = arith.muli %scan3A_30, %mul3A_31 : i32
      %add3A_33 = arith.constant 0 : i32
      %add3A_34 = arith.addi %mul3A_32, %add3A_33 : i32
      %dma_wait3A_35 = arith.constant 0 : i32
      %dma_wait3A_36 = arith.constant 0 : i32
      %dma_wait3A_37 = tpu.memref_slice %arg2[%dma_wait3A_35, %dma_wait3A_36] : memref<10240x128xf32, #tpu.memory_space<hbm>> -> memref<10240x128xf32, #tpu.memory_space<hbm>>
      tpu.wait_indirect_dma semaphore(%arg17 : memref<!tpu.dma_semaphore, #tpu.memory_space<semaphore_mem>>) src(%dma_wait3A_37 : memref<10240x128xf32, #tpu.memory_space<hbm>>) dst(%arg13 : memref<128x128xf32, #tpu.memory_space<vmem>>)
      %ge3A = arith.constant 2 : i32
      %ge3A_38 = arith.cmpi sge, %add3A_34, %ge3A : i32
      %convert_element_type3A = arith.extui %ge3A_38 : i1 to i32
      %cond3A = arith.constant 0 : i32
      %cond3A_39 = arith.cmpi ne, %convert_element_type3A, %cond3A : i32
      scf.if %cond3A_39 {
        %dma_wait3A_114 = arith.constant 0 : i32
        %dma_wait3A_115 = tpu.memref_slice %arg4[%add3A, %add3A_34, %dma_wait3A_114] : memref<32x81x128xi32, #tpu.memory_space<hbm>> -> memref<1x1x128xi32, #tpu.memory_space<hbm>>
        %dma_wait3A_116 = tpu.memref_squeeze %dma_wait3A_115 : memref<1x1x128xi32, #tpu.memory_space<hbm>> -> memref<128xi32, #tpu.memory_space<hbm>>
        %dma_wait3A_117 = arith.constant 0 : i32
        %dma_wait3A_118 = tpu.memref_slice %arg4[%add3A, %add3A_34, %dma_wait3A_117] : memref<32x81x128xi32, #tpu.memory_space<hbm>> -> memref<1x1x128xi32, #tpu.memory_space<hbm>>
        %dma_wait3A_119 = tpu.memref_squeeze %dma_wait3A_118 : memref<1x1x128xi32, #tpu.memory_space<hbm>> -> memref<128xi32, #tpu.memory_space<hbm>>
        tpu.wait_dma2 semaphore(%arg26 : memref<!tpu.dma_semaphore, #tpu.memory_space<semaphore_mem>>) src(%dma_wait3A_119 : memref<128xi32, #tpu.memory_space<hbm>>) dst(%arg10 : memref<128xi32, #tpu.memory_space<vmem>>)
      } else {
      }
      %dma_start3A_40 = arith.constant 0 : i32
      %dma_start3A_41 = arith.constant 0 : i32
      %dma_start3A_42 = tpu.memref_slice %arg16[%dma_start3A_40, %dma_start3A_41] : memref<10112x128xf32, #tpu.memory_space<vmem_shared>> -> memref<10112x128xf32, #tpu.memory_space<vmem_shared>>
      tpu.enqueue_indirect_dma source(%arg13 : memref<128x128xf32, #tpu.memory_space<vmem>>) target(%dma_start3A_42 : memref<10112x128xf32, #tpu.memory_space<vmem_shared>>) offsets(%arg10 : memref<128xi32, #tpu.memory_space<vmem>>) semaphore(%arg20 : memref<!tpu.dma_semaphore, #tpu.memory_space<semaphore_mem>>) {add = true}
      %add3A_43 = arith.constant 2 : i32
      %add3A_44 = arith.addi %add3A_34, %add3A_43 : i32
      %lt3A = arith.constant 81 : i32
      %lt3A_45 = arith.cmpi slt, %add3A_44, %lt3A : i32
      %convert_element_type3A_46 = arith.extui %lt3A_45 : i1 to i32
      %cond3A_47 = arith.constant 0 : i32
      %cond3A_48 = arith.cmpi ne, %convert_element_type3A_46, %cond3A_47 : i32
      scf.if %cond3A_48 {
        %ge3A_114 = arith.constant 1 : i32
        %ge3A_115 = arith.cmpi sge, %add3A_34, %ge3A_114 : i32
        %convert_element_type3A_116 = arith.extui %ge3A_115 : i1 to i32
        %cond3A_117 = arith.constant 0 : i32
        %cond3A_118 = arith.cmpi ne, %convert_element_type3A_116, %cond3A_117 : i32
        scf.if %cond3A_118 {
          %dma_wait3A_135 = arith.constant 0 : i32
          %dma_wait3A_136 = arith.constant 0 : i32
          %dma_wait3A_137 = tpu.memref_slice %arg16[%dma_wait3A_135, %dma_wait3A_136] : memref<10112x128xf32, #tpu.memory_space<vmem_shared>> -> memref<10112x128xf32, #tpu.memory_space<vmem_shared>>
          tpu.wait_indirect_dma semaphore(%arg22 : memref<!tpu.dma_semaphore, #tpu.memory_space<semaphore_mem>>) src(%arg15 : memref<128x128xf32, #tpu.memory_space<vmem>>) dst(%dma_wait3A_137 : memref<10112x128xf32, #tpu.memory_space<vmem_shared>>)
        } else {
        }
        %add3A_119 = arith.constant 2 : i32
        %add3A_120 = arith.addi %add3A_34, %add3A_119 : i32
        %dma_start3A_121 = arith.constant 0 : i32
        %dma_start3A_122 = tpu.memref_slice %arg4[%add3A, %add3A_120, %dma_start3A_121] : memref<32x81x128xi32, #tpu.memory_space<hbm>> -> memref<1x1x128xi32, #tpu.memory_space<hbm>>
        %dma_start3A_123 = tpu.memref_squeeze %dma_start3A_122 : memref<1x1x128xi32, #tpu.memory_space<hbm>> -> memref<128xi32, #tpu.memory_space<hbm>>
        %dma_start3A_124 = arith.constant 0 : i32
        %dma_start3A_125 = tpu.memref_slice %arg4[%add3A, %add3A_120, %dma_start3A_124] : memref<32x81x128xi32, #tpu.memory_space<hbm>> -> memref<1x1x128xi32, #tpu.memory_space<hbm>>
        %dma_start3A_126 = tpu.memref_squeeze %dma_start3A_125 : memref<1x1x128xi32, #tpu.memory_space<hbm>> -> memref<128xi32, #tpu.memory_space<hbm>>
        tpu.enqueue_dma source(%dma_start3A_126 : memref<128xi32, #tpu.memory_space<hbm>>) target(%arg12 : memref<128xi32, #tpu.memory_space<vmem>>) target_semaphore(%arg28 : memref<!tpu.dma_semaphore, #tpu.memory_space<semaphore_mem>>)
        %ge3A_127 = arith.constant 1 : i32
        %ge3A_128 = arith.cmpi sge, %add3A_34, %ge3A_127 : i32
        %convert_element_type3A_129 = arith.extui %ge3A_128 : i1 to i32
        %cond3A_130 = arith.constant 0 : i32
        %cond3A_131 = arith.cmpi ne, %convert_element_type3A_129, %cond3A_130 : i32
        scf.if %cond3A_131 {
          %add3A_135 = arith.constant 2 : i32
          %add3A_136 = arith.addi %add3A_34, %add3A_135 : i32
          %dma_wait3A_137 = arith.constant 0 : i32
          %dma_wait3A_138 = tpu.memref_slice %arg3[%add3A, %add3A_136, %dma_wait3A_137] : memref<32x81x128xi32, #tpu.memory_space<hbm>> -> memref<1x1x128xi32, #tpu.memory_space<hbm>>
          %dma_wait3A_139 = tpu.memref_squeeze %dma_wait3A_138 : memref<1x1x128xi32, #tpu.memory_space<hbm>> -> memref<128xi32, #tpu.memory_space<hbm>>
          %dma_wait3A_140 = arith.constant 0 : i32
          %dma_wait3A_141 = tpu.memref_slice %arg3[%add3A, %add3A_136, %dma_wait3A_140] : memref<32x81x128xi32, #tpu.memory_space<hbm>> -> memref<1x1x128xi32, #tpu.memory_space<hbm>>
          %dma_wait3A_142 = tpu.memref_squeeze %dma_wait3A_141 : memref<1x1x128xi32, #tpu.memory_space<hbm>> -> memref<128xi32, #tpu.memory_space<hbm>>
          tpu.wait_dma2 semaphore(%arg25 : memref<!tpu.dma_semaphore, #tpu.memory_space<semaphore_mem>>) src(%dma_wait3A_142 : memref<128xi32, #tpu.memory_space<hbm>>) dst(%arg9 : memref<128xi32, #tpu.memory_space<vmem>>)
        } else {
        }
        %dma_start3A_132 = arith.constant 0 : i32
        %dma_start3A_133 = arith.constant 0 : i32
        %dma_start3A_134 = tpu.memref_slice %arg2[%dma_start3A_132, %dma_start3A_133] : memref<10240x128xf32, #tpu.memory_space<hbm>> -> memref<10240x128xf32, #tpu.memory_space<hbm>>
        tpu.enqueue_indirect_dma source(%dma_start3A_134 : memref<10240x128xf32, #tpu.memory_space<hbm>>) target(%arg15 : memref<128x128xf32, #tpu.memory_space<vmem>>) offsets(%arg9 : memref<128xi32, #tpu.memory_space<vmem>>) semaphore(%arg19 : memref<!tpu.dma_semaphore, #tpu.memory_space<semaphore_mem>>)
      } else {
      }
      %add3A_49 = arith.constant 3 : i32
      %add3A_50 = arith.addi %add3A_34, %add3A_49 : i32
      %lt3A_51 = arith.constant 81 : i32
      %lt3A_52 = arith.cmpi slt, %add3A_50, %lt3A_51 : i32
      %convert_element_type3A_53 = arith.extui %lt3A_52 : i1 to i32
      %cond3A_54 = arith.constant 0 : i32
      %cond3A_55 = arith.cmpi ne, %convert_element_type3A_53, %cond3A_54 : i32
      scf.if %cond3A_55 {
        %add3A_114 = arith.constant 3 : i32
        %add3A_115 = arith.addi %add3A_34, %add3A_114 : i32
        %dma_start3A_116 = arith.constant 0 : i32
        %dma_start3A_117 = tpu.memref_slice %arg3[%add3A, %add3A_115, %dma_start3A_116] : memref<32x81x128xi32, #tpu.memory_space<hbm>> -> memref<1x1x128xi32, #tpu.memory_space<hbm>>
        %dma_start3A_118 = tpu.memref_squeeze %dma_start3A_117 : memref<1x1x128xi32, #tpu.memory_space<hbm>> -> memref<128xi32, #tpu.memory_space<hbm>>
        %dma_start3A_119 = arith.constant 0 : i32
        %dma_start3A_120 = tpu.memref_slice %arg3[%add3A, %add3A_115, %dma_start3A_119] : memref<32x81x128xi32, #tpu.memory_space<hbm>> -> memref<1x1x128xi32, #tpu.memory_space<hbm>>
        %dma_start3A_121 = tpu.memref_squeeze %dma_start3A_120 : memref<1x1x128xi32, #tpu.memory_space<hbm>> -> memref<128xi32, #tpu.memory_space<hbm>>
        tpu.enqueue_dma source(%dma_start3A_121 : memref<128xi32, #tpu.memory_space<hbm>>) target(%arg7 : memref<128xi32, #tpu.memory_space<vmem>>) target_semaphore(%arg23 : memref<!tpu.dma_semaphore, #tpu.memory_space<semaphore_mem>>)
      } else {
      }
      %mul3A_56 = arith.constant 3 : i32
      %mul3A_57 = arith.muli %scan3A_30, %mul3A_56 : i32
      %add3A_58 = arith.constant 1 : i32
      %add3A_59 = arith.addi %mul3A_57, %add3A_58 : i32
      %dma_wait3A_60 = arith.constant 0 : i32
      %dma_wait3A_61 = arith.constant 0 : i32
      %dma_wait3A_62 = tpu.memref_slice %arg2[%dma_wait3A_60, %dma_wait3A_61] : memref<10240x128xf32, #tpu.memory_space<hbm>> -> memref<10240x128xf32, #tpu.memory_space<hbm>>
      tpu.wait_indirect_dma semaphore(%arg18 : memref<!tpu.dma_semaphore, #tpu.memory_space<semaphore_mem>>) src(%dma_wait3A_62 : memref<10240x128xf32, #tpu.memory_space<hbm>>) dst(%arg14 : memref<128x128xf32, #tpu.memory_space<vmem>>)
      %ge3A_63 = arith.constant 2 : i32
      %ge3A_64 = arith.cmpi sge, %add3A_59, %ge3A_63 : i32
      %convert_element_type3A_65 = arith.extui %ge3A_64 : i1 to i32
      %cond3A_66 = arith.constant 0 : i32
      %cond3A_67 = arith.cmpi ne, %convert_element_type3A_65, %cond3A_66 : i32
      scf.if %cond3A_67 {
        %dma_wait3A_114 = arith.constant 0 : i32
        %dma_wait3A_115 = tpu.memref_slice %arg4[%add3A, %add3A_59, %dma_wait3A_114] : memref<32x81x128xi32, #tpu.memory_space<hbm>> -> memref<1x1x128xi32, #tpu.memory_space<hbm>>
        %dma_wait3A_116 = tpu.memref_squeeze %dma_wait3A_115 : memref<1x1x128xi32, #tpu.memory_space<hbm>> -> memref<128xi32, #tpu.memory_space<hbm>>
        %dma_wait3A_117 = arith.constant 0 : i32
        %dma_wait3A_118 = tpu.memref_slice %arg4[%add3A, %add3A_59, %dma_wait3A_117] : memref<32x81x128xi32, #tpu.memory_space<hbm>> -> memref<1x1x128xi32, #tpu.memory_space<hbm>>
        %dma_wait3A_119 = tpu.memref_squeeze %dma_wait3A_118 : memref<1x1x128xi32, #tpu.memory_space<hbm>> -> memref<128xi32, #tpu.memory_space<hbm>>
        tpu.wait_dma2 semaphore(%arg27 : memref<!tpu.dma_semaphore, #tpu.memory_space<semaphore_mem>>) src(%dma_wait3A_119 : memref<128xi32, #tpu.memory_space<hbm>>) dst(%arg11 : memref<128xi32, #tpu.memory_space<vmem>>)
      } else {
      }
      %dma_start3A_68 = arith.constant 0 : i32
      %dma_start3A_69 = arith.constant 0 : i32
      %dma_start3A_70 = tpu.memref_slice %arg16[%dma_start3A_68, %dma_start3A_69] : memref<10112x128xf32, #tpu.memory_space<vmem_shared>> -> memref<10112x128xf32, #tpu.memory_space<vmem_shared>>
      tpu.enqueue_indirect_dma source(%arg14 : memref<128x128xf32, #tpu.memory_space<vmem>>) target(%dma_start3A_70 : memref<10112x128xf32, #tpu.memory_space<vmem_shared>>) offsets(%arg11 : memref<128xi32, #tpu.memory_space<vmem>>) semaphore(%arg21 : memref<!tpu.dma_semaphore, #tpu.memory_space<semaphore_mem>>) {add = true}
      %add3A_71 = arith.constant 2 : i32
      %add3A_72 = arith.addi %add3A_59, %add3A_71 : i32
      %lt3A_73 = arith.constant 81 : i32
      %lt3A_74 = arith.cmpi slt, %add3A_72, %lt3A_73 : i32
      %convert_element_type3A_75 = arith.extui %lt3A_74 : i1 to i32
      %cond3A_76 = arith.constant 0 : i32
      %cond3A_77 = arith.cmpi ne, %convert_element_type3A_75, %cond3A_76 : i32
      scf.if %cond3A_77 {
        %ge3A_114 = arith.constant 1 : i32
        %ge3A_115 = arith.cmpi sge, %add3A_59, %ge3A_114 : i32
        %convert_element_type3A_116 = arith.extui %ge3A_115 : i1 to i32
        %cond3A_117 = arith.constant 0 : i32
        %cond3A_118 = arith.cmpi ne, %convert_element_type3A_116, %cond3A_117 : i32
        scf.if %cond3A_118 {
          %dma_wait3A_135 = arith.constant 0 : i32
          %dma_wait3A_136 = arith.constant 0 : i32
          %dma_wait3A_137 = tpu.memref_slice %arg16[%dma_wait3A_135, %dma_wait3A_136] : memref<10112x128xf32, #tpu.memory_space<vmem_shared>> -> memref<10112x128xf32, #tpu.memory_space<vmem_shared>>
          tpu.wait_indirect_dma semaphore(%arg20 : memref<!tpu.dma_semaphore, #tpu.memory_space<semaphore_mem>>) src(%arg13 : memref<128x128xf32, #tpu.memory_space<vmem>>) dst(%dma_wait3A_137 : memref<10112x128xf32, #tpu.memory_space<vmem_shared>>)
        } else {
        }
        %add3A_119 = arith.constant 2 : i32
        %add3A_120 = arith.addi %add3A_59, %add3A_119 : i32
        %dma_start3A_121 = arith.constant 0 : i32
        %dma_start3A_122 = tpu.memref_slice %arg4[%add3A, %add3A_120, %dma_start3A_121] : memref<32x81x128xi32, #tpu.memory_space<hbm>> -> memref<1x1x128xi32, #tpu.memory_space<hbm>>
        %dma_start3A_123 = tpu.memref_squeeze %dma_start3A_122 : memref<1x1x128xi32, #tpu.memory_space<hbm>> -> memref<128xi32, #tpu.memory_space<hbm>>
        %dma_start3A_124 = arith.constant 0 : i32
        %dma_start3A_125 = tpu.memref_slice %arg4[%add3A, %add3A_120, %dma_start3A_124] : memref<32x81x128xi32, #tpu.memory_space<hbm>> -> memref<1x1x128xi32, #tpu.memory_space<hbm>>
        %dma_start3A_126 = tpu.memref_squeeze %dma_start3A_125 : memref<1x1x128xi32, #tpu.memory_space<hbm>> -> memref<128xi32, #tpu.memory_space<hbm>>
        tpu.enqueue_dma source(%dma_start3A_126 : memref<128xi32, #tpu.memory_space<hbm>>) target(%arg10 : memref<128xi32, #tpu.memory_space<vmem>>) target_semaphore(%arg26 : memref<!tpu.dma_semaphore, #tpu.memory_space<semaphore_mem>>)
        %ge3A_127 = arith.constant 1 : i32
        %ge3A_128 = arith.cmpi sge, %add3A_59, %ge3A_127 : i32
        %convert_element_type3A_129 = arith.extui %ge3A_128 : i1 to i32
        %cond3A_130 = arith.constant 0 : i32
        %cond3A_131 = arith.cmpi ne, %convert_element_type3A_129, %cond3A_130 : i32
        scf.if %cond3A_131 {
          %add3A_135 = arith.constant 2 : i32
          %add3A_136 = arith.addi %add3A_59, %add3A_135 : i32
          %dma_wait3A_137 = arith.constant 0 : i32
          %dma_wait3A_138 = tpu.memref_slice %arg3[%add3A, %add3A_136, %dma_wait3A_137] : memref<32x81x128xi32, #tpu.memory_space<hbm>> -> memref<1x1x128xi32, #tpu.memory_space<hbm>>
          %dma_wait3A_139 = tpu.memref_squeeze %dma_wait3A_138 : memref<1x1x128xi32, #tpu.memory_space<hbm>> -> memref<128xi32, #tpu.memory_space<hbm>>
          %dma_wait3A_140 = arith.constant 0 : i32
          %dma_wait3A_141 = tpu.memref_slice %arg3[%add3A, %add3A_136, %dma_wait3A_140] : memref<32x81x128xi32, #tpu.memory_space<hbm>> -> memref<1x1x128xi32, #tpu.memory_space<hbm>>
          %dma_wait3A_142 = tpu.memref_squeeze %dma_wait3A_141 : memref<1x1x128xi32, #tpu.memory_space<hbm>> -> memref<128xi32, #tpu.memory_space<hbm>>
          tpu.wait_dma2 semaphore(%arg23 : memref<!tpu.dma_semaphore, #tpu.memory_space<semaphore_mem>>) src(%dma_wait3A_142 : memref<128xi32, #tpu.memory_space<hbm>>) dst(%arg7 : memref<128xi32, #tpu.memory_space<vmem>>)
        } else {
        }
        %dma_start3A_132 = arith.constant 0 : i32
        %dma_start3A_133 = arith.constant 0 : i32
        %dma_start3A_134 = tpu.memref_slice %arg2[%dma_start3A_132, %dma_start3A_133] : memref<10240x128xf32, #tpu.memory_space<hbm>> -> memref<10240x128xf32, #tpu.memory_space<hbm>>
        tpu.enqueue_indirect_dma source(%dma_start3A_134 : memref<10240x128xf32, #tpu.memory_space<hbm>>) target(%arg13 : memref<128x128xf32, #tpu.memory_space<vmem>>) offsets(%arg7 : memref<128xi32, #tpu.memory_space<vmem>>) semaphore(%arg17 : memref<!tpu.dma_semaphore, #tpu.memory_space<semaphore_mem>>)
      } else {
      }
      %add3A_78 = arith.constant 3 : i32
      %add3A_79 = arith.addi %add3A_59, %add3A_78 : i32
      %lt3A_80 = arith.constant 81 : i32
      %lt3A_81 = arith.cmpi slt, %add3A_79, %lt3A_80 : i32
      %convert_element_type3A_82 = arith.extui %lt3A_81 : i1 to i32
      %cond3A_83 = arith.constant 0 : i32
      %cond3A_84 = arith.cmpi ne, %convert_element_type3A_82, %cond3A_83 : i32
      scf.if %cond3A_84 {
        %add3A_114 = arith.constant 3 : i32
        %add3A_115 = arith.addi %add3A_59, %add3A_114 : i32
        %dma_start3A_116 = arith.constant 0 : i32
        %dma_start3A_117 = tpu.memref_slice %arg3[%add3A, %add3A_115, %dma_start3A_116] : memref<32x81x128xi32, #tpu.memory_space<hbm>> -> memref<1x1x128xi32, #tpu.memory_space<hbm>>
        %dma_start3A_118 = tpu.memref_squeeze %dma_start3A_117 : memref<1x1x128xi32, #tpu.memory_space<hbm>> -> memref<128xi32, #tpu.memory_space<hbm>>
        %dma_start3A_119 = arith.constant 0 : i32
        %dma_start3A_120 = tpu.memref_slice %arg3[%add3A, %add3A_115, %dma_start3A_119] : memref<32x81x128xi32, #tpu.memory_space<hbm>> -> memref<1x1x128xi32, #tpu.memory_space<hbm>>
        %dma_start3A_121 = tpu.memref_squeeze %dma_start3A_120 : memref<1x1x128xi32, #tpu.memory_space<hbm>> -> memref<128xi32, #tpu.memory_space<hbm>>
        tpu.enqueue_dma source(%dma_start3A_121 : memref<128xi32, #tpu.memory_space<hbm>>) target(%arg8 : memref<128xi32, #tpu.memory_space<vmem>>) target_semaphore(%arg24 : memref<!tpu.dma_semaphore, #tpu.memory_space<semaphore_mem>>)
      } else {
      }
      %mul3A_85 = arith.constant 3 : i32
      %mul3A_86 = arith.muli %scan3A_30, %mul3A_85 : i32
      %add3A_87 = arith.constant 2 : i32
      %add3A_88 = arith.addi %mul3A_86, %add3A_87 : i32
      %dma_wait3A_89 = arith.constant 0 : i32
      %dma_wait3A_90 = arith.constant 0 : i32
      %dma_wait3A_91 = tpu.memref_slice %arg2[%dma_wait3A_89, %dma_wait3A_90] : memref<10240x128xf32, #tpu.memory_space<hbm>> -> memref<10240x128xf32, #tpu.memory_space<hbm>>
      tpu.wait_indirect_dma semaphore(%arg19 : memref<!tpu.dma_semaphore, #tpu.memory_space<semaphore_mem>>) src(%dma_wait3A_91 : memref<10240x128xf32, #tpu.memory_space<hbm>>) dst(%arg15 : memref<128x128xf32, #tpu.memory_space<vmem>>)
      %ge3A_92 = arith.constant 2 : i32
      %ge3A_93 = arith.cmpi sge, %add3A_88, %ge3A_92 : i32
      %convert_element_type3A_94 = arith.extui %ge3A_93 : i1 to i32
      %cond3A_95 = arith.constant 0 : i32
      %cond3A_96 = arith.cmpi ne, %convert_element_type3A_94, %cond3A_95 : i32
      scf.if %cond3A_96 {
        %dma_wait3A_114 = arith.constant 0 : i32
        %dma_wait3A_115 = tpu.memref_slice %arg4[%add3A, %add3A_88, %dma_wait3A_114] : memref<32x81x128xi32, #tpu.memory_space<hbm>> -> memref<1x1x128xi32, #tpu.memory_space<hbm>>
        %dma_wait3A_116 = tpu.memref_squeeze %dma_wait3A_115 : memref<1x1x128xi32, #tpu.memory_space<hbm>> -> memref<128xi32, #tpu.memory_space<hbm>>
        %dma_wait3A_117 = arith.constant 0 : i32
        %dma_wait3A_118 = tpu.memref_slice %arg4[%add3A, %add3A_88, %dma_wait3A_117] : memref<32x81x128xi32, #tpu.memory_space<hbm>> -> memref<1x1x128xi32, #tpu.memory_space<hbm>>
        %dma_wait3A_119 = tpu.memref_squeeze %dma_wait3A_118 : memref<1x1x128xi32, #tpu.memory_space<hbm>> -> memref<128xi32, #tpu.memory_space<hbm>>
        tpu.wait_dma2 semaphore(%arg28 : memref<!tpu.dma_semaphore, #tpu.memory_space<semaphore_mem>>) src(%dma_wait3A_119 : memref<128xi32, #tpu.memory_space<hbm>>) dst(%arg12 : memref<128xi32, #tpu.memory_space<vmem>>)
      } else {
      }
      %dma_start3A_97 = arith.constant 0 : i32
      %dma_start3A_98 = arith.constant 0 : i32
      %dma_start3A_99 = tpu.memref_slice %arg16[%dma_start3A_97, %dma_start3A_98] : memref<10112x128xf32, #tpu.memory_space<vmem_shared>> -> memref<10112x128xf32, #tpu.memory_space<vmem_shared>>
      tpu.enqueue_indirect_dma source(%arg15 : memref<128x128xf32, #tpu.memory_space<vmem>>) target(%dma_start3A_99 : memref<10112x128xf32, #tpu.memory_space<vmem_shared>>) offsets(%arg12 : memref<128xi32, #tpu.memory_space<vmem>>) semaphore(%arg22 : memref<!tpu.dma_semaphore, #tpu.memory_space<semaphore_mem>>) {add = true}
      %add3A_100 = arith.constant 2 : i32
      %add3A_101 = arith.addi %add3A_88, %add3A_100 : i32
      %lt3A_102 = arith.constant 81 : i32
      %lt3A_103 = arith.cmpi slt, %add3A_101, %lt3A_102 : i32
      %convert_element_type3A_104 = arith.extui %lt3A_103 : i1 to i32
      %cond3A_105 = arith.constant 0 : i32
      %cond3A_106 = arith.cmpi ne, %convert_element_type3A_104, %cond3A_105 : i32
      scf.if %cond3A_106 {
        %ge3A_114 = arith.constant 1 : i32
        %ge3A_115 = arith.cmpi sge, %add3A_88, %ge3A_114 : i32
        %convert_element_type3A_116 = arith.extui %ge3A_115 : i1 to i32
        %cond3A_117 = arith.constant 0 : i32
        %cond3A_118 = arith.cmpi ne, %convert_element_type3A_116, %cond3A_117 : i32
        scf.if %cond3A_118 {
          %dma_wait3A_135 = arith.constant 0 : i32
          %dma_wait3A_136 = arith.constant 0 : i32
          %dma_wait3A_137 = tpu.memref_slice %arg16[%dma_wait3A_135, %dma_wait3A_136] : memref<10112x128xf32, #tpu.memory_space<vmem_shared>> -> memref<10112x128xf32, #tpu.memory_space<vmem_shared>>
          tpu.wait_indirect_dma semaphore(%arg21 : memref<!tpu.dma_semaphore, #tpu.memory_space<semaphore_mem>>) src(%arg14 : memref<128x128xf32, #tpu.memory_space<vmem>>) dst(%dma_wait3A_137 : memref<10112x128xf32, #tpu.memory_space<vmem_shared>>)
        } else {
        }
        %add3A_119 = arith.constant 2 : i32
        %add3A_120 = arith.addi %add3A_88, %add3A_119 : i32
        %dma_start3A_121 = arith.constant 0 : i32
        %dma_start3A_122 = tpu.memref_slice %arg4[%add3A, %add3A_120, %dma_start3A_121] : memref<32x81x128xi32, #tpu.memory_space<hbm>> -> memref<1x1x128xi32, #tpu.memory_space<hbm>>
        %dma_start3A_123 = tpu.memref_squeeze %dma_start3A_122 : memref<1x1x128xi32, #tpu.memory_space<hbm>> -> memref<128xi32, #tpu.memory_space<hbm>>
        %dma_start3A_124 = arith.constant 0 : i32
        %dma_start3A_125 = tpu.memref_slice %arg4[%add3A, %add3A_120, %dma_start3A_124] : memref<32x81x128xi32, #tpu.memory_space<hbm>> -> memref<1x1x128xi32, #tpu.memory_space<hbm>>
        %dma_start3A_126 = tpu.memref_squeeze %dma_start3A_125 : memref<1x1x128xi32, #tpu.memory_space<hbm>> -> memref<128xi32, #tpu.memory_space<hbm>>
        tpu.enqueue_dma source(%dma_start3A_126 : memref<128xi32, #tpu.memory_space<hbm>>) target(%arg11 : memref<128xi32, #tpu.memory_space<vmem>>) target_semaphore(%arg27 : memref<!tpu.dma_semaphore, #tpu.memory_space<semaphore_mem>>)
        %ge3A_127 = arith.constant 1 : i32
        %ge3A_128 = arith.cmpi sge, %add3A_88, %ge3A_127 : i32
        %convert_element_type3A_129 = arith.extui %ge3A_128 : i1 to i32
        %cond3A_130 = arith.constant 0 : i32
        %cond3A_131 = arith.cmpi ne, %convert_element_type3A_129, %cond3A_130 : i32
        scf.if %cond3A_131 {
          %add3A_135 = arith.constant 2 : i32
          %add3A_136 = arith.addi %add3A_88, %add3A_135 : i32
          %dma_wait3A_137 = arith.constant 0 : i32
          %dma_wait3A_138 = tpu.memref_slice %arg3[%add3A, %add3A_136, %dma_wait3A_137] : memref<32x81x128xi32, #tpu.memory_space<hbm>> -> memref<1x1x128xi32, #tpu.memory_space<hbm>>
          %dma_wait3A_139 = tpu.memref_squeeze %dma_wait3A_138 : memref<1x1x128xi32, #tpu.memory_space<hbm>> -> memref<128xi32, #tpu.memory_space<hbm>>
          %dma_wait3A_140 = arith.constant 0 : i32
          %dma_wait3A_141 = tpu.memref_slice %arg3[%add3A, %add3A_136, %dma_wait3A_140] : memref<32x81x128xi32, #tpu.memory_space<hbm>> -> memref<1x1x128xi32, #tpu.memory_space<hbm>>
          %dma_wait3A_142 = tpu.memref_squeeze %dma_wait3A_141 : memref<1x1x128xi32, #tpu.memory_space<hbm>> -> memref<128xi32, #tpu.memory_space<hbm>>
          tpu.wait_dma2 semaphore(%arg24 : memref<!tpu.dma_semaphore, #tpu.memory_space<semaphore_mem>>) src(%dma_wait3A_142 : memref<128xi32, #tpu.memory_space<hbm>>) dst(%arg8 : memref<128xi32, #tpu.memory_space<vmem>>)
        } else {
        }
        %dma_start3A_132 = arith.constant 0 : i32
        %dma_start3A_133 = arith.constant 0 : i32
        %dma_start3A_134 = tpu.memref_slice %arg2[%dma_start3A_132, %dma_start3A_133] : memref<10240x128xf32, #tpu.memory_space<hbm>> -> memref<10240x128xf32, #tpu.memory_space<hbm>>
        tpu.enqueue_indirect_dma source(%dma_start3A_134 : memref<10240x128xf32, #tpu.memory_space<hbm>>) target(%arg14 : memref<128x128xf32, #tpu.memory_space<vmem>>) offsets(%arg8 : memref<128xi32, #tpu.memory_space<vmem>>) semaphore(%arg18 : memref<!tpu.dma_semaphore, #tpu.memory_space<semaphore_mem>>)
      } else {
      }
      %add3A_107 = arith.constant 3 : i32
      %add3A_108 = arith.addi %add3A_88, %add3A_107 : i32
      %lt3A_109 = arith.constant 81 : i32
      %lt3A_110 = arith.cmpi slt, %add3A_108, %lt3A_109 : i32
      %convert_element_type3A_111 = arith.extui %lt3A_110 : i1 to i32
      %cond3A_112 = arith.constant 0 : i32
      %cond3A_113 = arith.cmpi ne, %convert_element_type3A_111, %cond3A_112 : i32
      scf.if %cond3A_113 {
        %add3A_114 = arith.constant 3 : i32
        %add3A_115 = arith.addi %add3A_88, %add3A_114 : i32
        %dma_start3A_116 = arith.constant 0 : i32
        %dma_start3A_117 = tpu.memref_slice %arg3[%add3A, %add3A_115, %dma_start3A_116] : memref<32x81x128xi32, #tpu.memory_space<hbm>> -> memref<1x1x128xi32, #tpu.memory_space<hbm>>
        %dma_start3A_118 = tpu.memref_squeeze %dma_start3A_117 : memref<1x1x128xi32, #tpu.memory_space<hbm>> -> memref<128xi32, #tpu.memory_space<hbm>>
        %dma_start3A_119 = arith.constant 0 : i32
        %dma_start3A_120 = tpu.memref_slice %arg3[%add3A, %add3A_115, %dma_start3A_119] : memref<32x81x128xi32, #tpu.memory_space<hbm>> -> memref<1x1x128xi32, #tpu.memory_space<hbm>>
        %dma_start3A_121 = tpu.memref_squeeze %dma_start3A_120 : memref<1x1x128xi32, #tpu.memory_space<hbm>> -> memref<128xi32, #tpu.memory_space<hbm>>
        tpu.enqueue_dma source(%dma_start3A_121 : memref<128xi32, #tpu.memory_space<hbm>>) target(%arg9 : memref<128xi32, #tpu.memory_space<vmem>>) target_semaphore(%arg25 : memref<!tpu.dma_semaphore, #tpu.memory_space<semaphore_mem>>)
      } else {
      }
    }
    %scan3A_16 = arith.constant 27 : i32
    %dma_wait3A = arith.constant 0 : i32
    %dma_wait3A_17 = arith.constant 0 : i32
    %dma_wait3A_18 = tpu.memref_slice %arg16[%dma_wait3A, %dma_wait3A_17] : memref<10112x128xf32, #tpu.memory_space<vmem_shared>> -> memref<10112x128xf32, #tpu.memory_space<vmem_shared>>
    tpu.wait_indirect_dma semaphore(%arg20 : memref<!tpu.dma_semaphore, #tpu.memory_space<semaphore_mem>>) src(%arg13 : memref<128x128xf32, #tpu.memory_space<vmem>>) dst(%dma_wait3A_18 : memref<10112x128xf32, #tpu.memory_space<vmem_shared>>)
    %dma_wait3A_19 = arith.constant 0 : i32
    %dma_wait3A_20 = arith.constant 0 : i32
    %dma_wait3A_21 = tpu.memref_slice %arg16[%dma_wait3A_19, %dma_wait3A_20] : memref<10112x128xf32, #tpu.memory_space<vmem_shared>> -> memref<10112x128xf32, #tpu.memory_space<vmem_shared>>
    tpu.wait_indirect_dma semaphore(%arg21 : memref<!tpu.dma_semaphore, #tpu.memory_space<semaphore_mem>>) src(%arg14 : memref<128x128xf32, #tpu.memory_space<vmem>>) dst(%dma_wait3A_21 : memref<10112x128xf32, #tpu.memory_space<vmem_shared>>)
    %dma_wait3A_22 = arith.constant 0 : i32
    %dma_wait3A_23 = arith.constant 0 : i32
    %dma_wait3A_24 = tpu.memref_slice %arg16[%dma_wait3A_22, %dma_wait3A_23] : memref<10112x128xf32, #tpu.memory_space<vmem_shared>> -> memref<10112x128xf32, #tpu.memory_space<vmem_shared>>
    tpu.wait_indirect_dma semaphore(%arg22 : memref<!tpu.dma_semaphore, #tpu.memory_space<semaphore_mem>>) src(%arg15 : memref<128x128xf32, #tpu.memory_space<vmem>>) dst(%dma_wait3A_24 : memref<10112x128xf32, #tpu.memory_space<vmem_shared>>)
    %barrier3A_25 = arith.constant 0 : index
    tpu.barrier barrier_id(%barrier3A_25)
    %mul3A_26 = arith.constant 632 : i32
    %mul3A_27 = arith.muli %arg1, %mul3A_26 : i32
    %mul3A_28 = arith.constant 632 : i32
    %mul3A_29 = arith.muli %arg1, %mul3A_28 : i32
    "tpu.region"() ({
      %run_scoped3A_30 = tpu.sem_alloc : memref<!tpu.dma_semaphore, #tpu.memory_space<semaphore_mem>>
      %dma_start3A_31 = arith.constant 0 : i32
      %dma_start3A_32 = tpu.memref_slice %arg6[%arg0, %mul3A_29, %dma_start3A_31] : memref<2x10240x128xf32, #tpu.memory_space<hbm>> -> memref<1x632x128xf32, #tpu.memory_space<hbm>>
      %dma_start3A_33 = tpu.memref_squeeze %dma_start3A_32 : memref<1x632x128xf32, #tpu.memory_space<hbm>> -> memref<632x128xf32, #tpu.memory_space<hbm>>
      %dma_start3A_34 = arith.constant 0 : i32
      %dma_start3A_35 = tpu.memref_slice %arg16[%mul3A_27, %dma_start3A_34] : memref<10112x128xf32, #tpu.memory_space<vmem_shared>> -> memref<632x128xf32, #tpu.memory_space<vmem_shared>>
      tpu.enqueue_dma source(%dma_start3A_35 : memref<632x128xf32, #tpu.memory_space<vmem_shared>>) target(%dma_start3A_33 : memref<632x128xf32, #tpu.memory_space<hbm>>) target_semaphore(%run_scoped3A_30 : memref<!tpu.dma_semaphore, #tpu.memory_space<semaphore_mem>>)
      %dma_wait3A_36 = arith.constant 0 : i32
      %dma_wait3A_37 = tpu.memref_slice %arg6[%arg0, %mul3A_29, %dma_wait3A_36] : memref<2x10240x128xf32, #tpu.memory_space<hbm>> -> memref<1x632x128xf32, #tpu.memory_space<hbm>>
      %dma_wait3A_38 = tpu.memref_squeeze %dma_wait3A_37 : memref<1x632x128xf32, #tpu.memory_space<hbm>> -> memref<632x128xf32, #tpu.memory_space<hbm>>
      %dma_wait3A_39 = arith.constant 0 : i32
      %dma_wait3A_40 = tpu.memref_slice %arg16[%mul3A_27, %dma_wait3A_39] : memref<10112x128xf32, #tpu.memory_space<vmem_shared>> -> memref<632x128xf32, #tpu.memory_space<vmem_shared>>
      tpu.wait_dma2 semaphore(%run_scoped3A_30 : memref<!tpu.dma_semaphore, #tpu.memory_space<semaphore_mem>>) src(%dma_wait3A_40 : memref<632x128xf32, #tpu.memory_space<vmem_shared>>) dst(%dma_wait3A_38 : memref<632x128xf32, #tpu.memory_space<hbm>>)
      tpu.yield
    }) : () -> ()
    return
  }
}

module attributes {stable_mosaic.version = 14 : i64} {
  func.func @_stage1_body(%arg0: i32, %arg1: memref<1024x128xf32, #tpu.memory_space<vmem>>, %arg2: memref<128x128xf32, #tpu.memory_space<vmem>>, %arg3: memref<1x128xf32, #tpu.memory_space<vmem>>, %arg4: memref<1024x128xf32, #tpu.memory_space<vmem>>) attributes {dimension_semantics = [#tpu.dimension_semantics<arbitrary>], iteration_bounds = array<i64: 10>, scalar_prefetch = 0 : i64, scratch_operands = 0 : i64, tpu.core_type = #tpu.core_type<tc>, window_params = [{transform_indices = @transform_0, window_bounds = array<i64: 1024, 128>}, {pipeline_mode = #tpu.pipeline_mode<synchronous>, transform_indices = @transform_1, window_bounds = array<i64: 128, 128>}, {pipeline_mode = #tpu.pipeline_mode<synchronous>, transform_indices = @transform_2, window_bounds = array<i64: 1, 128>}, {transform_indices = @transform_3, window_bounds = array<i64: 1024, 128>}]} {
    %get3A = arith.constant 0 : index
    %get3A_0 = arith.constant 0 : index
    %get3A_1 = vector.load %arg1[%get3A, %get3A_0] : memref<1024x128xf32, #tpu.memory_space<vmem>>, vector<1024x128xf32>
    %get3A_2 = arith.constant 0 : index
    %get3A_3 = arith.constant 0 : index
    %get3A_4 = vector.load %arg2[%get3A_2, %get3A_3] : memref<128x128xf32, #tpu.memory_space<vmem>>, vector<128x128xf32>
    %convert_element_type3A = arith.truncf %get3A_1 : vector<1024x128xf32> to vector<1024x128xbf16>
    %convert_element_type3A_5 = arith.truncf %get3A_4 : vector<128x128xf32> to vector<128x128xbf16>
    %dot_general3A = arith.constant dense<0.000000e+00> : vector<1024x128xf32>
    %dot_general3A_6 = tpu.matmul %convert_element_type3A, %convert_element_type3A_5, %dot_general3A {dimension_numbers = #tpu.dot_dimension_numbers<[1], [0], [0], [1], [0, 0, 1, 1], [], []>, transpose_lhs_hint = false} : vector<1024x128xbf16>, vector<128x128xbf16>, vector<1024x128xf32> -> vector<1024x128xf32>
    %get3A_7 = arith.constant 0 : index
    %get3A_8 = arith.constant 0 : index
    %get3A_9 = vector.load %arg3[%get3A_7, %get3A_8] : memref<1x128xf32, #tpu.memory_space<vmem>>, vector<1x128xf32>
    %add3A = vector.broadcast %get3A_9 : vector<1x128xf32> to vector<1024x128xf32>
    %add3A_10 = arith.addf %dot_general3A_6, %add3A : vector<1024x128xf32>
    %gt3A = arith.constant 0.000000e+00 : f32
    %gt3A_11 = vector.broadcast %gt3A : f32 to vector<1024x128xf32>
    %gt3A_12 = arith.cmpf ogt, %add3A_10, %gt3A_11 : vector<1024x128xf32>
    %min3A = arith.constant 0.000000e+00 : f32
    %min3A_13 = vector.broadcast %min3A : f32 to vector<1024x128xf32>
    %min3A_14 = arith.minimumf %add3A_10, %min3A_13 : vector<1024x128xf32>
    %exp3A = math.exp %min3A_14 : vector<1024x128xf32>
    %sub3A = arith.constant 1.000000e+00 : f32
    %sub3A_15 = vector.broadcast %sub3A : f32 to vector<1024x128xf32>
    %sub3A_16 = arith.subf %exp3A, %sub3A_15 : vector<1024x128xf32>
    %select_n3A = arith.select %gt3A_12, %add3A_10, %sub3A_16 : vector<1024x128xi1>, vector<1024x128xf32>
    %swap3A = arith.constant 0 : index
    %swap3A_17 = arith.constant 0 : index
    %swap3A_18 = vector.load %arg4[%swap3A, %swap3A_17] : memref<1024x128xf32, #tpu.memory_space<vmem>>, vector<1024x128xf32>
    tpu.vector_store %arg4[%swap3A, %swap3A_17], %select_n3A {strides = array<i32>} : memref<1024x128xf32, #tpu.memory_space<vmem>>, vector<1024x128xf32>,
    return
  }
  func.func @transform_0(%arg0: i32) -> (i32, i32) {
    %c0_i32 = arith.constant 0 : i32
    %c0_i32_0 = arith.constant 0 : i32
    return %arg0, %c0_i32 : i32, i32
  }
  func.func @transform_1(%arg0: i32) -> (i32, i32) {
    %c0_i32 = arith.constant 0 : i32
    %c0_i32_0 = arith.constant 0 : i32
    %c0_i32_1 = arith.constant 0 : i32
    return %c0_i32, %c0_i32_0 : i32, i32
  }
  func.func @transform_2(%arg0: i32) -> (i32, i32) {
    %c0_i32 = arith.constant 0 : i32
    %c0_i32_0 = arith.constant 0 : i32
    %c0_i32_1 = arith.constant 0 : i32
    return %c0_i32, %c0_i32_0 : i32, i32
  }
  func.func @transform_3(%arg0: i32) -> (i32, i32) {
    %c0_i32 = arith.constant 0 : i32
    %c0_i32_0 = arith.constant 0 : i32
    return %arg0, %c0_i32 : i32, i32
  }
}

module attributes {stable_mosaic.version = 14 : i64} {
  func.func @_stage3_body(%arg0: i32, %arg1: memref<1024x128xf32, #tpu.memory_space<vmem>>, %arg2: memref<1024x128xf32, #tpu.memory_space<vmem>>, %arg3: memref<128x128xf32, #tpu.memory_space<vmem>>, %arg4: memref<1x128xf32, #tpu.memory_space<vmem>>, %arg5: memref<128x128xf32, #tpu.memory_space<vmem>>, %arg6: memref<1x128xf32, #tpu.memory_space<vmem>>, %arg7: memref<1024x128xf32, #tpu.memory_space<vmem>>, %arg8: memref<1024x128xf32, #tpu.memory_space<vmem>>) attributes {dimension_semantics = [#tpu.dimension_semantics<arbitrary>], iteration_bounds = array<i64: 10>, scalar_prefetch = 0 : i64, scratch_operands = 0 : i64, tpu.core_type = #tpu.core_type<tc>, window_params = [{transform_indices = @transform_0, window_bounds = array<i64: 1024, 128>}, {transform_indices = @transform_1, window_bounds = array<i64: 1024, 128>}, {pipeline_mode = #tpu.pipeline_mode<synchronous>, transform_indices = @transform_2, window_bounds = array<i64: 128, 128>}, {pipeline_mode = #tpu.pipeline_mode<synchronous>, transform_indices = @transform_3, window_bounds = array<i64: 1, 128>}, {pipeline_mode = #tpu.pipeline_mode<synchronous>, transform_indices = @transform_4, window_bounds = array<i64: 128, 128>}, {pipeline_mode = #tpu.pipeline_mode<synchronous>, transform_indices = @transform_5, window_bounds = array<i64: 1, 128>}, {transform_indices = @transform_6, window_bounds = array<i64: 1024, 128>}, {transform_indices = @transform_7, window_bounds = array<i64: 1024, 128>}]} {
    %get3A = arith.constant 0 : index
    %get3A_0 = arith.constant 0 : index
    %get3A_1 = vector.load %arg1[%get3A, %get3A_0] : memref<1024x128xf32, #tpu.memory_space<vmem>>, vector<1024x128xf32>
    %get3A_2 = arith.constant 0 : index
    %get3A_3 = arith.constant 0 : index
    %get3A_4 = vector.load %arg2[%get3A_2, %get3A_3] : memref<1024x128xf32, #tpu.memory_space<vmem>>, vector<1024x128xf32>
    %add3A = arith.addf %get3A_1, %get3A_4 : vector<1024x128xf32>
    %get3A_5 = arith.constant 0 : index
    %get3A_6 = arith.constant 0 : index
    %get3A_7 = vector.load %arg3[%get3A_5, %get3A_6] : memref<128x128xf32, #tpu.memory_space<vmem>>, vector<128x128xf32>
    %convert_element_type3A = arith.truncf %add3A : vector<1024x128xf32> to vector<1024x128xbf16>
    %convert_element_type3A_8 = arith.truncf %get3A_7 : vector<128x128xf32> to vector<128x128xbf16>
    %dot_general3A = arith.constant dense<0.000000e+00> : vector<1024x128xf32>
    %dot_general3A_9 = tpu.matmul %convert_element_type3A, %convert_element_type3A_8, %dot_general3A {dimension_numbers = #tpu.dot_dimension_numbers<[1], [0], [0], [1], [0, 0, 1, 1], [], []>, transpose_lhs_hint = false} : vector<1024x128xbf16>, vector<128x128xbf16>, vector<1024x128xf32> -> vector<1024x128xf32>
    %get3A_10 = arith.constant 0 : index
    %get3A_11 = arith.constant 0 : index
    %get3A_12 = vector.load %arg4[%get3A_10, %get3A_11] : memref<1x128xf32, #tpu.memory_space<vmem>>, vector<1x128xf32>
    %add3A_13 = vector.broadcast %get3A_12 : vector<1x128xf32> to vector<1024x128xf32>
    %add3A_14 = arith.addf %dot_general3A_9, %add3A_13 : vector<1024x128xf32>
    %gt3A = arith.constant 0.000000e+00 : f32
    %gt3A_15 = vector.broadcast %gt3A : f32 to vector<1024x128xf32>
    %gt3A_16 = arith.cmpf ogt, %add3A_14, %gt3A_15 : vector<1024x128xf32>
    %min3A = arith.constant 0.000000e+00 : f32
    %min3A_17 = vector.broadcast %min3A : f32 to vector<1024x128xf32>
    %min3A_18 = arith.minimumf %add3A_14, %min3A_17 : vector<1024x128xf32>
    %exp3A = math.exp %min3A_18 : vector<1024x128xf32>
    %sub3A = arith.constant 1.000000e+00 : f32
    %sub3A_19 = vector.broadcast %sub3A : f32 to vector<1024x128xf32>
    %sub3A_20 = arith.subf %exp3A, %sub3A_19 : vector<1024x128xf32>
    %select_n3A = arith.select %gt3A_16, %add3A_14, %sub3A_20 : vector<1024x128xi1>, vector<1024x128xf32>
    %swap3A = arith.constant 0 : index
    %swap3A_21 = arith.constant 0 : index
    %swap3A_22 = vector.load %arg7[%swap3A, %swap3A_21] : memref<1024x128xf32, #tpu.memory_space<vmem>>, vector<1024x128xf32>
    tpu.vector_store %arg7[%swap3A, %swap3A_21], %select_n3A {strides = array<i32>} : memref<1024x128xf32, #tpu.memory_space<vmem>>, vector<1024x128xf32>,
    %get3A_23 = arith.constant 0 : index
    %get3A_24 = arith.constant 0 : index
    %get3A_25 = vector.load %arg5[%get3A_23, %get3A_24] : memref<128x128xf32, #tpu.memory_space<vmem>>, vector<128x128xf32>
    %convert_element_type3A_26 = arith.truncf %select_n3A : vector<1024x128xf32> to vector<1024x128xbf16>
    %convert_element_type3A_27 = arith.truncf %get3A_25 : vector<128x128xf32> to vector<128x128xbf16>
    %dot_general3A_28 = arith.constant dense<0.000000e+00> : vector<1024x128xf32>
    %dot_general3A_29 = tpu.matmul %convert_element_type3A_26, %convert_element_type3A_27, %dot_general3A_28 {dimension_numbers = #tpu.dot_dimension_numbers<[1], [0], [0], [1], [0, 0, 1, 1], [], []>, transpose_lhs_hint = false} : vector<1024x128xbf16>, vector<128x128xbf16>, vector<1024x128xf32> -> vector<1024x128xf32>
    %get3A_30 = arith.constant 0 : index
    %get3A_31 = arith.constant 0 : index
    %get3A_32 = vector.load %arg6[%get3A_30, %get3A_31] : memref<1x128xf32, #tpu.memory_space<vmem>>, vector<1x128xf32>
    %add3A_33 = vector.broadcast %get3A_32 : vector<1x128xf32> to vector<1024x128xf32>
    %add3A_34 = arith.addf %dot_general3A_29, %add3A_33 : vector<1024x128xf32>
    %gt3A_35 = arith.constant 0.000000e+00 : f32
    %gt3A_36 = vector.broadcast %gt3A_35 : f32 to vector<1024x128xf32>
    %gt3A_37 = arith.cmpf ogt, %add3A_34, %gt3A_36 : vector<1024x128xf32>
    %min3A_38 = arith.constant 0.000000e+00 : f32
    %min3A_39 = vector.broadcast %min3A_38 : f32 to vector<1024x128xf32>
    %min3A_40 = arith.minimumf %add3A_34, %min3A_39 : vector<1024x128xf32>
    %exp3A_41 = math.exp %min3A_40 : vector<1024x128xf32>
    %sub3A_42 = arith.constant 1.000000e+00 : f32
    %sub3A_43 = vector.broadcast %sub3A_42 : f32 to vector<1024x128xf32>
    %sub3A_44 = arith.subf %exp3A_41, %sub3A_43 : vector<1024x128xf32>
    %select_n3A_45 = arith.select %gt3A_37, %add3A_34, %sub3A_44 : vector<1024x128xi1>, vector<1024x128xf32>
    %swap3A_46 = arith.constant 0 : index
    %swap3A_47 = arith.constant 0 : index
    %swap3A_48 = vector.load %arg8[%swap3A_46, %swap3A_47] : memref<1024x128xf32, #tpu.memory_space<vmem>>, vector<1024x128xf32>
    tpu.vector_store %arg8[%swap3A_46, %swap3A_47], %select_n3A_45 {strides = array<i32>} : memref<1024x128xf32, #tpu.memory_space<vmem>>, vector<1024x128xf32>,
    return
  }
  func.func @transform_0(%arg0: i32) -> (i32, i32) {
    %c0_i32 = arith.constant 0 : i32
    %c0_i32_0 = arith.constant 0 : i32
    return %arg0, %c0_i32 : i32, i32
  }
  func.func @transform_1(%arg0: i32) -> (i32, i32) {
    %c0_i32 = arith.constant 0 : i32
    %c0_i32_0 = arith.constant 0 : i32
    return %arg0, %c0_i32 : i32, i32
  }
  func.func @transform_2(%arg0: i32) -> (i32, i32) {
    %c0_i32 = arith.constant 0 : i32
    %c0_i32_0 = arith.constant 0 : i32
    %c0_i32_1 = arith.constant 0 : i32
    return %c0_i32, %c0_i32_0 : i32, i32
  }
  func.func @transform_3(%arg0: i32) -> (i32, i32) {
    %c0_i32 = arith.constant 0 : i32
    %c0_i32_0 = arith.constant 0 : i32
    %c0_i32_1 = arith.constant 0 : i32
    return %c0_i32, %c0_i32_0 : i32, i32
  }
  func.func @transform_4(%arg0: i32) -> (i32, i32) {
    %c0_i32 = arith.constant 0 : i32
    %c0_i32_0 = arith.constant 0 : i32
    %c0_i32_1 = arith.constant 0 : i32
    return %c0_i32, %c0_i32_0 : i32, i32
  }
  func.func @transform_5(%arg0: i32) -> (i32, i32) {
    %c0_i32 = arith.constant 0 : i32
    %c0_i32_0 = arith.constant 0 : i32
    %c0_i32_1 = arith.constant 0 : i32
    return %c0_i32, %c0_i32_0 : i32, i32
  }
  func.func @transform_6(%arg0: i32) -> (i32, i32) {
    %c0_i32 = arith.constant 0 : i32
    %c0_i32_0 = arith.constant 0 : i32
    return %arg0, %c0_i32 : i32, i32
  }
  func.func @transform_7(%arg0: i32) -> (i32, i32) {
    %c0_i32 = arith.constant 0 : i32
    %c0_i32_0 = arith.constant 0 : i32
    return %arg0, %c0_i32 : i32, i32
  }
}

module attributes {stable_mosaic.version = 14 : i64} {
  func.func @_stage5_body(%arg0: i32, %arg1: memref<1024x128xf32, #tpu.memory_space<vmem>>, %arg2: memref<1024x128xf32, #tpu.memory_space<vmem>>, %arg3: memref<1024x128xf32, #tpu.memory_space<vmem>>, %arg4: memref<128x128xf32, #tpu.memory_space<vmem>>, %arg5: memref<128x128xf32, #tpu.memory_space<vmem>>, %arg6: memref<1x128xf32, #tpu.memory_space<vmem>>, %arg7: memref<1x128xf32, #tpu.memory_space<vmem>>, %arg8: memref<1x1xf32, #tpu.memory_space<vmem>>, %arg9: memref<1024xf32, #tpu.memory_space<vmem>>) attributes {dimension_semantics = [#tpu.dimension_semantics<arbitrary>], iteration_bounds = array<i64: 10>, scalar_prefetch = 0 : i64, scratch_operands = 0 : i64, tpu.core_type = #tpu.core_type<tc>, window_params = [{transform_indices = @transform_0, window_bounds = array<i64: 1024, 128>}, {transform_indices = @transform_1, window_bounds = array<i64: 1024, 128>}, {transform_indices = @transform_2, window_bounds = array<i64: 1024, 128>}, {pipeline_mode = #tpu.pipeline_mode<synchronous>, transform_indices = @transform_3, window_bounds = array<i64: 128, 128>}, {pipeline_mode = #tpu.pipeline_mode<synchronous>, transform_indices = @transform_4, window_bounds = array<i64: 128, 128>}, {pipeline_mode = #tpu.pipeline_mode<synchronous>, transform_indices = @transform_5, window_bounds = array<i64: 1, 128>}, {pipeline_mode = #tpu.pipeline_mode<synchronous>, transform_indices = @transform_6, window_bounds = array<i64: 1, 128>}, {pipeline_mode = #tpu.pipeline_mode<synchronous>, transform_indices = @transform_7, window_bounds = array<i64: 1, 1>}, {transform_indices = @transform_8, window_bounds = array<i64: 1024>}]} {
    %get3A = arith.constant 0 : index
    %get3A_0 = arith.constant 0 : index
    %get3A_1 = vector.load %arg1[%get3A, %get3A_0] : memref<1024x128xf32, #tpu.memory_space<vmem>>, vector<1024x128xf32>
    %get3A_2 = arith.constant 0 : index
    %get3A_3 = arith.constant 0 : index
    %get3A_4 = vector.load %arg2[%get3A_2, %get3A_3] : memref<1024x128xf32, #tpu.memory_space<vmem>>, vector<1024x128xf32>
    %add3A = arith.addf %get3A_1, %get3A_4 : vector<1024x128xf32>
    %get3A_5 = arith.constant 0 : index
    %get3A_6 = arith.constant 0 : index
    %get3A_7 = vector.load %arg4[%get3A_5, %get3A_6] : memref<128x128xf32, #tpu.memory_space<vmem>>, vector<128x128xf32>
    %convert_element_type3A = arith.truncf %add3A : vector<1024x128xf32> to vector<1024x128xbf16>
    %convert_element_type3A_8 = arith.truncf %get3A_7 : vector<128x128xf32> to vector<128x128xbf16>
    %dot_general3A = arith.constant dense<0.000000e+00> : vector<1024x128xf32>
    %dot_general3A_9 = tpu.matmul %convert_element_type3A, %convert_element_type3A_8, %dot_general3A {dimension_numbers = #tpu.dot_dimension_numbers<[1], [0], [0], [1], [0, 0, 1, 1], [], []>, transpose_lhs_hint = false} : vector<1024x128xbf16>, vector<128x128xbf16>, vector<1024x128xf32> -> vector<1024x128xf32>
    %get3A_10 = arith.constant 0 : index
    %get3A_11 = arith.constant 0 : index
    %get3A_12 = vector.load %arg3[%get3A_10, %get3A_11] : memref<1024x128xf32, #tpu.memory_space<vmem>>, vector<1024x128xf32>
    %get3A_13 = arith.constant 0 : index
    %get3A_14 = arith.constant 0 : index
    %get3A_15 = vector.load %arg5[%get3A_13, %get3A_14] : memref<128x128xf32, #tpu.memory_space<vmem>>, vector<128x128xf32>
    %convert_element_type3A_16 = arith.truncf %get3A_12 : vector<1024x128xf32> to vector<1024x128xbf16>
    %convert_element_type3A_17 = arith.truncf %get3A_15 : vector<128x128xf32> to vector<128x128xbf16>
    %dot_general3A_18 = arith.constant dense<0.000000e+00> : vector<1024x128xf32>
    %dot_general3A_19 = tpu.matmul %convert_element_type3A_16, %convert_element_type3A_17, %dot_general3A_18 {dimension_numbers = #tpu.dot_dimension_numbers<[1], [0], [0], [1], [0, 0, 1, 1], [], []>, transpose_lhs_hint = false} : vector<1024x128xbf16>, vector<128x128xbf16>, vector<1024x128xf32> -> vector<1024x128xf32>
    %add3A_20 = arith.addf %dot_general3A_9, %dot_general3A_19 : vector<1024x128xf32>
    %get3A_21 = arith.constant 0 : index
    %get3A_22 = arith.constant 0 : index
    %get3A_23 = vector.load %arg6[%get3A_21, %get3A_22] : memref<1x128xf32, #tpu.memory_space<vmem>>, vector<1x128xf32>
    %add3A_24 = vector.broadcast %get3A_23 : vector<1x128xf32> to vector<1024x128xf32>
    %add3A_25 = arith.addf %add3A_20, %add3A_24 : vector<1024x128xf32>
    %gt3A = arith.constant 0.000000e+00 : f32
    %gt3A_26 = vector.broadcast %gt3A : f32 to vector<1024x128xf32>
    %gt3A_27 = arith.cmpf ogt, %add3A_25, %gt3A_26 : vector<1024x128xf32>
    %min3A = arith.constant 0.000000e+00 : f32
    %min3A_28 = vector.broadcast %min3A : f32 to vector<1024x128xf32>
    %min3A_29 = arith.minimumf %add3A_25, %min3A_28 : vector<1024x128xf32>
    %exp3A = math.exp %min3A_29 : vector<1024x128xf32>
    %sub3A = arith.constant 1.000000e+00 : f32
    %sub3A_30 = vector.broadcast %sub3A : f32 to vector<1024x128xf32>
    %sub3A_31 = arith.subf %exp3A, %sub3A_30 : vector<1024x128xf32>
    %select_n3A = arith.select %gt3A_27, %add3A_25, %sub3A_31 : vector<1024x128xi1>, vector<1024x128xf32>
    %convert_element_type3A_32 = arith.truncf %select_n3A : vector<1024x128xf32> to vector<1024x128xbf16>
    %convert_element_type3A_33 = arith.extf %convert_element_type3A_32 : vector<1024x128xbf16> to vector<1024x128xf32>
    %get3A_34 = arith.constant 0 : index
    %get3A_35 = arith.constant 0 : index
    %get3A_36 = vector.load %arg7[%get3A_34, %get3A_35] : memref<1x128xf32, #tpu.memory_space<vmem>>, vector<1x128xf32>
    %convert_element_type3A_37 = arith.truncf %get3A_36 : vector<1x128xf32> to vector<1x128xbf16>
    %convert_element_type3A_38 = arith.extf %convert_element_type3A_37 : vector<1x128xbf16> to vector<1x128xf32>
    %mul3A = vector.broadcast %convert_element_type3A_38 : vector<1x128xf32> to vector<1024x128xf32>
    %mul3A_39 = arith.mulf %convert_element_type3A_33, %mul3A : vector<1024x128xf32>
    %reduce_sum3A = arith.constant dense<0.000000e+00> : vector<1024xf32>
    %reduce_sum3A_40 = vector.multi_reduction <add>, %mul3A_39, %reduce_sum3A [1] : vector<1024x128xf32> to vector<1024xf32>
    %get3A_41 = arith.constant 0 : index
    %get3A_42 = arith.constant 0 : index
    %get3A_43 = vector.load %arg8[%get3A_41, %get3A_42] : memref<1x1xf32, #tpu.memory_space<vmem>>, vector<1x1xf32>
    %get3A_44 = vector.extract %get3A_43[0, 0] : f32 from vector<1x1xf32>
    %add3A_45 = vector.broadcast %get3A_44 : f32 to vector<1024xf32>
    %add3A_46 = arith.addf %reduce_sum3A_40, %add3A_45 : vector<1024xf32>
    %swap3A = arith.constant 0 : index
    %swap3A_47 = vector.load %arg9[%swap3A] : memref<1024xf32, #tpu.memory_space<vmem>>, vector<1024xf32>
    tpu.vector_store %arg9[%swap3A], %add3A_46 {strides = array<i32>} : memref<1024xf32, #tpu.memory_space<vmem>>, vector<1024xf32>,
    return
  }
  func.func @transform_0(%arg0: i32) -> (i32, i32) {
    %c0_i32 = arith.constant 0 : i32
    %c0_i32_0 = arith.constant 0 : i32
    return %arg0, %c0_i32 : i32, i32
  }
  func.func @transform_1(%arg0: i32) -> (i32, i32) {
    %c0_i32 = arith.constant 0 : i32
    %c0_i32_0 = arith.constant 0 : i32
    return %arg0, %c0_i32 : i32, i32
  }
  func.func @transform_2(%arg0: i32) -> (i32, i32) {
    %c0_i32 = arith.constant 0 : i32
    %c0_i32_0 = arith.constant 0 : i32
    return %arg0, %c0_i32 : i32, i32
  }
  func.func @transform_3(%arg0: i32) -> (i32, i32) {
    %c0_i32 = arith.constant 0 : i32
    %c0_i32_0 = arith.constant 0 : i32
    %c0_i32_1 = arith.constant 0 : i32
    return %c0_i32, %c0_i32_0 : i32, i32
  }
  func.func @transform_4(%arg0: i32) -> (i32, i32) {
    %c0_i32 = arith.constant 0 : i32
    %c0_i32_0 = arith.constant 0 : i32
    %c0_i32_1 = arith.constant 0 : i32
    return %c0_i32, %c0_i32_0 : i32, i32
  }
  func.func @transform_5(%arg0: i32) -> (i32, i32) {
    %c0_i32 = arith.constant 0 : i32
    %c0_i32_0 = arith.constant 0 : i32
    %c0_i32_1 = arith.constant 0 : i32
    return %c0_i32, %c0_i32_0 : i32, i32
  }
  func.func @transform_6(%arg0: i32) -> (i32, i32) {
    %c0_i32 = arith.constant 0 : i32
    %c0_i32_0 = arith.constant 0 : i32
    %c0_i32_1 = arith.constant 0 : i32
    return %c0_i32, %c0_i32_0 : i32, i32
  }
  func.func @transform_7(%arg0: i32) -> (i32, i32) {
    %c0_i32 = arith.constant 0 : i32
    %c0_i32_0 = arith.constant 0 : i32
    %c0_i32_1 = arith.constant 0 : i32
    return %c0_i32, %c0_i32_0 : i32, i32
  }
  func.func @transform_8(%arg0: i32) -> i32 {
    %c0_i32 = arith.constant 0 : i32
    return %arg0 : i32
  }
}

</mosaic_0001>

<sc_bundles>
// kernel: kernel.10.cloned.1.call-start
scs
__scs_entry_jumppad:
0x0: {  	(pc) =	sbr.rel $0x88, $3  }
0x1: {  	(tag) =	ssettag $0x0;
	lr =	simm.s32 $0x1  }
0x2: {  	[smem:$0x3F95] =	sst lr;
	_ =	strace $0xD0000000  }
0x3: {  	_ = 	snop  }
0x4: {  	_ = 	snop  }
0x5: {  	_ = 	snop  }
0x6: {  	_ = 	snop  }
0x7: {  	_ = 	snop  }
__scs_overlays_trampoline_lowered:
0x8: {  	[smem:$0x3FA4] =	sst s0  }
0x9: {  	[smem:$0x3FA5] =	sst s1  }
0xa: {  	[smem:$0x3FA6] =	sst s2  }
0xb: {  	[smem:$0x3FA7] =	sst s3  }
0xc: {  	[smem:$0x3FA8] =	sst s4  }
0xd: {  	[smem:$0x3FA9] =	sst s5  }
0xe: {  	[smem:$0x3FAA] =	sst s6  }
0xf: {  	[smem:$0x3FAB] =	sst s7  }
0x10: {  	[smem:$0x3FAC] =	sst s8  }
0x11: {  	[smem:$0x3FAD] =	sst s9;
	s0 =	simm.s32 @!p0 $0x0  }
0x12: {  	s1 =	sld [smem:$0x3F93];
	s0 =	simm.s32 @p0 $0x1  }
0x13: {  	[smem:$0x3FAE] =	sst s0;
	s0 =	simm.s32 @!p1 $0x0  }
0x14: {  	s2 =	sld [smem:$0x3F92];
	s0 =	simm.s32 @p1 $0x1  }
0x15: {  	[smem:$0x3FAF] =	sst s0;
	s0 =	simm.s32 @!p2 $0x0  }
0x16: {  	s3 =	sld [smem:$0x3FDB];
	s0 =	simm.s32 @p2 $0x1  }
0x17: {  	s4 =	simm.s32 $0x1BF5;
	[smem:$0x3FB1] =	sst s0  }
0x18: {  	s0 =	sld [smem:$0x3F94];
	_ =	swait.ge [sflag:s4], $0x0  }
0x19: {  	s7 =	sld [smem:$0x3F95]  }
0x1a: {  	s8 =	sadd.s32 $0xFFFFE003, lr  }
0x1b: {  	s9 =	sadd.s32 $0xFFFFFEF7, lr;
	s5 =	simm.s32 $0xFFFFFFFF;
	p2 =	slt.u32 s8, $0xFFFFF086  }
0x1c: {  	p1 =	slt.u32 s9, $0xF7A;
	s5 =	simm.s32 @!p2 $0x0  }
0x1d: {  	s5 =	simm.s32 @p1 $0x1;
	p0 =	seq.s32 s7, s2  }
0x1e: {  	s7 =	smul.u32 @!p0 $0xF7A, s2;
	p2 =	seq.s32 @!p0 s5, $0x0  }
0x1f: {  	s9 =	smul.u32 $0xF7A, s1;
	s8 =	simm.s32 @!p0 $0x1BF5;
	p2 =	por !p2, p0  }
0x20: {  	[sflag:s8] =	ssyncset.s32 @!p0 $0xFFFFF086;
	s6 =	sadd.s32 @!p0 s3, s7;
	s7 =	simm.s32 @!p0 $0x108  }
0x21: {  	s3 =	sadd.s32 s3, s9;
	s6 =	sadd.s32 @!p0 $0x88, s6;
	s7 =	simm.s32 @p2 $0x1082  }
0x22: {  	[simem:s7], [sflag:s8] =	dma.local @!p0 [hbm:s6], $0xF7A  }
0x23: {  	s9 =	sor.u32 $0xD0000000, s2;
	s6 =	simm.s32 $0x108;
	_ =	swait.ge @!p0 [sflag:s8], $0x0  }
0x24: {  	s3 =	sadd.s32 $0x88, s3;
	s6 =	simm.s32 @!p1 $0x1082;
	[sflag:s4] =	ssyncset.s32 $0xFFFFF086  }
0x25: {  	[simem:s6], [sflag:s4] =	dma.local [hbm:s3], $0xF7A  }
0x26: {  	[smem:$0x3F95] =	sst s1;
	(tag) =	ssettag s2;
	_ =	strace s9  }
0x27: {  	s1 =	sld [smem:$0x3FA5]  }
0x28: {  	s2 =	sld [smem:$0x3FA6]  }
0x29: {  	s4 =	sld [smem:$0x3FA8]  }
0x2a: {  	p0 =	seq.s32 s5, $0x0;
	s5 =	sld [smem:$0x3FA9]  }
0x2b: {  	s6 =	sld [smem:$0x3FAA]  }
0x2c: {  	s7 =	sld [smem:$0x3FAB]  }
0x2d: {  	s3 =	simm.s32 $0x108;
	s8 =	sld [smem:$0x3FAC]  }
0x2e: {  	s3 =	simm.s32 @!p0 $0x1082;
	s9 =	sld [smem:$0x3FAD]  }
0x2f: {  	lr =	sadd.s32 s0, s3;
	s0 =	sld [smem:$0x3FA4]  }
0x30: {  	s3 =	sld [smem:$0x3FA7]  }
0x31: {  	[smem:$0x3FB0] =	sst s10  }
0x32: {  	s10 =	sld [smem:$0x3FAE];
	_ =	sdelay $0x3  }
0x33: {  	p0 =	seq.s32 s10, $0x1;
	s10 =	sld [smem:$0x3FB0];
	_ =	sdelay $0x3  }
0x34: {  	[smem:$0x3FB0] =	sst s10  }
0x35: {  	s10 =	sld [smem:$0x3FAF];
	_ =	sdelay $0x3  }
0x36: {  	p1 =	seq.s32 s10, $0x1;
	s10 =	sld [smem:$0x3FB0];
	_ =	sdelay $0x3  }
0x37: {  	[smem:$0x3FB0] =	sst s10  }
0x38: {  	s10 =	sld [smem:$0x3FB1]  }
0x39: {  	_ = 	snop;
	(pc) =	sbr.ind lr, $3  }
0x3a: {  	_ = 	snop  }
0x3b: {  	_ = 	snop  }
0x3c: {  	p2 =	seq.s32 s10, $0x1;
	s10 =	sld [smem:$0x3FB0]  }
0x3d: {  	_ =	shalt  }
0x3e: {  	_ =	shalt  }
0x3f: {  	_ =	shalt  }
0x40: {  	_ =	shalt  }
0x41: {  	_ =	shalt  }
0x42: {  	_ =	shalt  }
0x43: {  	_ =	shalt  }
0x44: {  	_ =	shalt  }
0x45: {  	_ =	shalt  }
0x46: {  	_ =	shalt  }
0x47: {  	_ =	shalt  }
0x48: {  	_ =	shalt  }
0x49: {  	_ =	shalt  }
0x4a: {  	_ =	shalt  }
0x4b: {  	_ =	shalt  }
0x4c: {  	_ =	shalt  }
0x4d: {  	_ =	shalt  }
0x4e: {  	_ =	shalt  }
0x4f: {  	_ =	shalt  }
0x50: {  	_ =	shalt  }
0x51: {  	_ =	shalt  }
0x52: {  	_ =	shalt  }
0x53: {  	_ =	shalt  }
0x54: {  	_ =	shalt  }
0x55: {  	_ =	shalt  }
0x56: {  	_ =	shalt  }
0x57: {  	_ =	shalt  }
0x58: {  	_ =	shalt  }
0x59: {  	_ =	shalt  }
0x5a: {  	_ =	shalt  }
0x5b: {  	_ =	shalt  }
0x5c: {  	_ =	shalt  }
0x5d: {  	_ =	shalt  }
0x5e: {  	_ =	shalt  }
0x5f: {  	_ =	shalt  }
0x60: {  	_ =	shalt  }
0x61: {  	_ =	shalt  }
0x62: {  	_ =	shalt  }
0x63: {  	_ =	shalt  }
0x64: {  	_ =	shalt  }
0x65: {  	_ =	shalt  }
0x66: {  	_ =	shalt  }
0x67: {  	_ =	shalt  }
0x68: {  	_ =	shalt  }
0x69: {  	_ =	shalt  }
0x6a: {  	_ =	shalt  }
0x6b: {  	_ =	shalt  }
0x6c: {  	_ =	shalt  }
0x6d: {  	_ =	shalt  }
0x6e: {  	_ =	shalt  }
0x6f: {  	_ =	shalt  }
0x70: {  	_ =	shalt  }
0x71: {  	_ =	shalt  }
0x72: {  	_ =	shalt  }
0x73: {  	_ =	shalt  }
0x74: {  	_ =	shalt  }
0x75: {  	_ =	shalt  }
0x76: {  	_ =	shalt  }
0x77: {  	_ =	shalt  }
0x78: {  	_ =	shalt  }
0x79: {  	_ =	shalt  }
0x7a: {  	_ =	shalt  }
0x7b: {  	_ =	shalt  }
0x7c: {  	_ =	shalt  }
0x7d: {  	_ =	shalt  }
0x7e: {  	_ =	shalt  }
0x7f: {  	_ =	shalt  }
0x80: {  	_ =	shalt  }
0x81: {  	_ =	shalt  }
0x82: {  	_ =	shalt  }
0x83: {  	_ =	shalt  }
0x84: {  	_ =	shalt  }
0x85: {  	_ =	shalt  }
0x86: {  	_ =	shalt  }
0x87: {  	_ =	shalt  }
.Lfunc_end0:
.L_simem_size_0:
called_computation.1_lowered:
.L_overlay_start_0:
0x88: {  	s2 =	sld [smem:$0x3FD9]  }
0x89: {  	s3 =	sld [smem:$0x3FFE];
	_ =	sdelay $0x1  }
0x8a: {  	s1 =	srdreg.scid  }
0x8b: {  	s0 =	sand.u32 $0x1, s1  }
0x8c: {  	s16 =	sshll.u32 s0, $0xA;
	s2 =	sadd.s32 s3, s2  }
0x8d: {  	s2 =	sadd.s32 s2, s16  }
0x8e: {  	[smem:$0x3FBC] =	sst s2  }
0x8f: {  	_ = 	snop  }
0x90: {  	(tm) =	ssettm $0x1  }
0x91: {  	s17 =	sld [smem:$0x3FFB];
	_ =	sdelay $0x3  }
0x92: {  	_ =	strace s17  }
0x93: {  	s2 =	sld [smem:$0x3FFC];
	_ =	sdelay $0x3  }
0x94: {  	_ =	strace s2  }
0x95: {  	s2 =	sld [smem:$0x3FFD];
	_ =	sdelay $0x3  }
0x96: {  	_ =	strace s2  }
0x97: {  	_ =	strace $0x8FFFFFFF  }
0x98: {  	s18 =	sld [smem:$0x3FDB];
	_ =	sdelay $0x1  }
0x99: {  	s19 =	simm.s32 $_scs_section_size  }
0x9a: {  	s4 =	simm.s32 $_size__tile_overlayer_lowered;
	s5 =	simm.s32 $_tile_overlayer_lowered  }
0x9b: {  	s22 =	simm.s32 $0x1BFF;
	s21 =	sshll.u32 s5, $0x1;
	s2 =	sadd.s32 s19, s18  }
0x9c: {  	s6 =	simm.s32 $0x0;
	s20 =	sshll.u32 s4, $0x1;
	s4 =	sadd.s32 s21, s2  }
0x9d: {  	[timem:s6], [sflag:s22] =	dma.local [hbm:s4], s20  }
0x9e: {  	_ =	swait.ge [sflag:s22], s20  }
0x9f: {  	s3 =	ssub.s32 $0x0, s20;
	[sflag:s22] =	ssyncset.done $0x0  }
0xa0: {  	[sflag:s22] =	ssyncadd.s32 s3;
	_ =	sdelay $0x1  }
0xa1: {  	s23 =	simm.s32 $0x1B8B  }
0xa2: {  	_ =	swait.ge [sflag:s23], $0x1  }
0xa3: {  	[sflag:s23] =	ssyncset.done $0x0  }
0xa4: {  	s25 =	simm.s32 $0x1B8E;
	s24 =	sld [smem:$0x3FFE];
	[sflag:s23] =	ssyncadd.s32 $0xFFFFFFFF  }
0xa5: {  	s26 =	simm.s32 $execute0_lowered;
	[smem:$0x3FD2] =	sst s25  }
0xa6: {  	s4 =	sshll.u32 s26, $0x1;
	_ =	strace $0x80000049;
	[dreg:$0x1] =	wrdreg $0xFFFFFFFF  }
0xa7: {  	s28 =	simm.s32 $_size_execute0_lowered;
	s2 =	sadd.s32 s2, s4;
	[dreg:$0x0] =	wrdreg $0x0  }
0xa8: {  	s4 =	sshll.u32 s28, $0x1;
	[dreg:$0x2] =	wrdreg s2  }
0xa9: {  	[dreg:$0x3] =	wrdreg s4  }
0xaa: {  	[dreg:$0x4] =	wrdreg $0xC0  }
0xab: {  	_ =	task [dreg:s6], $0x5FFFF  }
0xac: {  	[dreg:$0x1] =	wrdreg $0xFFFFFFFF  }
0xad: {  	[dreg:$0x0] =	wrdreg $0x60  }
0xae: {  	[dreg:$0x2] =	wrdreg s24  }
0xaf: {  	[dreg:$0x3] =	wrdreg $0xC3000  }
0xb0: {  	[dreg:$0x4] =	wrdreg $0x9  }
0xb1: {  	_ =	task.clear_ibuf [dreg:s6], $0x5FFFF;
	_ =	strace $0x90000049  }
0xb2: {  	s29 =	simm.s32 $0x9;
	_ =	strace $0x8000004B  }
0xb3: {  	_ =	swait.ge [sflag:s29], $0x1  }
0xb4: {  	[sflag:s29] =	ssyncadd.s32 $0xFFFFFFFF  }
0xb5: {  	_ =	strace $0x9000004B  }
0xb6: {  	_ =	sfence  }
0xb7: {  	s30 =	sld [smem:$0x0];
	_ =	sdelay $0x2  }
0xb8: {  	s31 =	sshll.u32 s1, $0xD;
	s1 =	sshrl.u32 s1, $0x2  }
0xb9: {  	s3 =	sand.u32 $0x4000, s31;
	s1 =	sadd.s32 s1, s30  }
0xba: {  	s0 =	sor.u32 s3, s0;
	s1 =	sshll.u32 s1, $0x11  }
0xbb: {  	s0 =	sor.u32 s1, s0  }
0xbc: {  	s0 =	sadd.s32 $0x8F2B, s0  }
0xbd: {  	[sflag:s0] =	ssyncadd.remote.s32 $0x1  }
0xbe: {  	_ =	sfence.sel $0xFFFF  }
0xbf: {  	[dreg:$0x0] =	wrdreg $0xFFFFFFFF;
	(pc) =	sbr.abs _section_cstart, $3  }
0xc0: {  	[dreg:$0x1] =	wrdreg $0xFFFFFFFF  }
0xc1: {  	_ =	task.clear_ibuf [dreg:s6], $0x2FFFF;
	_ =	strace $0x9FFFFFFF  }
0xc2: {  	(tm) =	ssettm $0x7FFFFFFF  }
0xc3: {  	_ =	shalt  }
tec
execute0_lowered:
.L_overlay_start_1:
0x0: {  	(tag) =	ssettag $0x1  }
0x1: {  	s0 =	rddreg [dreg:$0x0]  }
0x2: {  	s1 =	rddreg [dreg:$0x1];
	s3 =	simm.s32 $0x0;
	s2 =	srdreg.scid  }
0x3: {  	s11 =	stileid.u32;
	s28 =	simm.s32 $0x8300;
	s29 =	simm.s32 $0x2  }
0x4: {  	s30 =	simm.s32 $0x4;
	s31 =	simm.s32 $0x7;
	s17 =	simm.s32 $0x0  }
0x5: {  	[smem:$0x7FF] =	sst s3;
	s2 =	sand.u32 $0x1, s2;
	s4 =	sadd.s32 $0x18600, s0  }
0x6: {  	s8 =	smul.u32 $0x13C00, s11;
	s5 =	sadd.s32 $0x2600, s0;
	s6 =	sadd.s32 $0xD600, s0  }
0x7: {  	s19 =	smul.u32 $0x4F000, s11;
	s20 =	sadd.s32 $0x40600, s0;
	s24 =	sshll.u32 s11, $0x6  }
0x8: {  	s7 =	smul.u32 $0x140000, s2;
	_ =	strace $0x8000004A;
	s9 =	sshll.u32 s2, $0x4  }
0x9: {  	s2 =	ssub.s32 $0x2, s2;
	[dreg:$0x3] =	wrdreg s20;
	s12 =	sor.u32 $0x1C0D, s24  }
0xa: {  	s20 =	simm.s32 $0x100;
	s24 =	simm.s32 $0x4300;
	[dreg:$0xd] =	wrdreg s17  }
0xb: {  	s18 =	sor.u32 s11, s9;
	s21 =	sshrl.u32 s2, $0x1;
	s22 =	sshrl.u32 s19, $0x2  }
0xc: {  	s19 =	simm.s32 $0x80;
	s11 =	simm.s32 $0x8;
	[dreg:$0x4] =	wrdreg s12  }
0xd: {  	s7 =	sadd.s32 s8, s7;
	s2 =	ssub.s32 s2, s21;
	s8 =	sadd.s32 s22, s1  }
0xe: {  	s21 =	simm.s32 $0x180;
	s22 =	simm.s32 $0x300;
	s10 =	sshrl.u32 s7, $0x3  }
0xf: {  	s7 =	smul.u32 $0x2C00, s18;
	s16 =	smax.u32 s2, $0x1;
	s18 =	simm.s32 $0xD  }
0x10: {  	s2 =	simm.s32 $0xC;
	s0 =	sadd.s32 s10, s0;
	[dreg:$0xb] =	wrdreg s16  }
0x11: {  	s10 =	sshrl.u32 s8, $0x3;
	s8 =	simm.s32 $0x5;
	s23 =	sshrl.u32 s7, $0x3  }
0x12: {  	s0 =	sadd.s32 $0x42E00, s0;
	[dreg:$0xc] =	wrdreg s10;
	s25 =	sor.u32 $0x10, s23  }
0x13: {  	s26 =	sadd.s32 s5, s23;
	s14 =	sadd.s32 s6, s23;
	[dreg:$0xa] =	wrdreg s0  }
.Ltmp0:
0x14: {  	s23 =	simm.s32 $0x200;
	[dreg:$0x5] =	wrdreg s26;
	(pc) =	sbr.rel .LBB2_1-.Ltmp0, $4  }
0x15: {  	s0 =	simm.s32 $0x3;
	s13 =	sadd.s32 s5, s25;
	[dreg:$0x8] =	wrdreg s14  }
0x16: {  	s9 =	sadd.s32 $0x20, s26;
	s15 =	sadd.s32 s6, s25;
	[dreg:$0x6] =	wrdreg s13  }
0x17: {  	s25 =	simm.s32 $0x1;
	s26 =	simm.s32 $0x280;
	[dreg:$0x7] =	wrdreg s9  }
0x18: {  	s14 =	simm.s32 $0xB;
	[dreg:$0x9] =	wrdreg s15;
	s13 =	simm.s32 $0x9  }
.LBB2_8:
0x19: {  	_ =	swait.ge [sflag:s30], $0x4000  }
0x1a: {  	[sflag:s30] =	ssyncset.done $0x0  }
0x1b: {  	[sflag:s30] =	ssyncadd.s32 $0xFFFFC000  }
0x1c: {  	_ =	swait.ge [sflag:s8], $0x4000  }
0x1d: {  	[sflag:s8] =	ssyncset.done $0x0  }
0x1e: {  	s9 =	simm.s32 $0x6;
	[sflag:s8] =	ssyncadd.s32 $0xFFFFC000  }
0x1f: {  	_ =	swait.ge [sflag:s9], $0x4000  }
0x20: {  	[sflag:s9] =	ssyncset.done $0x0  }
0x21: {  	[sflag:s9] =	ssyncadd.s32 $0xFFFFC000  }
0x22: {  	[bflag:$0x0] =	sbarrier.arrive $0xFFFF  }
0x23: {  	s12 =	rddreg [dreg:$0x4]  }
0x24: {  	s16 =	rddreg [dreg:$0xa]  }
0x25: {  	s10 =	rddreg [dreg:$0xc]  }
0x26: {  	[hbm:s16], [sflag:s12] =	dma.local [spmem:s10], $0x2780  }
0x27: {  	_ =	swait.ge [sflag:s18], $0x2780  }
0x28: {  	s15 =	rddreg [dreg:$0xd]  }
0x29: {  	s17 =	rddreg [dreg:$0xb];
	s15 =	sadd.s32 $0x1, s15  }
0x2a: {  	p0 =	sne.s32 s15, s17  }
.Ltmp1:
0x2b: {  	_ = 	snop;
	(pc) =	sbr.rel @!p0 .LBB2_9-.Ltmp1, $3  }
0x2c: {  	_ =	sdelay $0x1  }
0x2d: {  	[sflag:s18] =	ssyncset.done $0x0  }
0x2e: {  	[sflag:s18] =	ssyncadd.s32 $0xFFFFD880;
	[dreg:$0xd] =	wrdreg s15  }
.LBB2_1:
0x2f: {  	s9 =	rddreg [dreg:$0x3]  }
0x30: {  	[spmem:s10], [sflag:s12] =	dma.local [hbm:s9], $0x2780  }
0x31: {  	_ =	swait.ge [sflag:s18], $0x2780  }
0x32: {  	[sflag:s18] =	ssyncset.done $0x0  }
0x33: {  	[sflag:s18] =	ssyncadd.s32 $0xFFFFD880  }
0x34: {  	[bflag:$0x0] =	sbarrier.arrive $0xFFFF  }
0x35: {  	s10 =	rddreg [dreg:$0x5]  }
0x36: {  	[tilespmem:s3], [sflag:$0xD] =	stream.linear.gather [hbm4b:s10+s3], $0x80, $0x38;
	[tilespmem:$0x1FF00] =	vst v63  }
0x37: {  	_ =	swait.ge [sflag:s18], $0x80  }
0x38: {  	[sflag:s18] =	ssyncset.done $0x0  }
0x39: {  	s12 =	rddreg [dreg:$0x6];
	[sflag:s18] =	ssyncadd.s32 $0xFFFFFF80  }
0x3a: {  	[tilespmem:s19], [sflag:$0xD] =	stream.linear.gather [hbm4b:s12+s3], $0x80, $0x38;
	[tilespmem:$0x1FF00] =	vst v63  }
0x3b: {  	_ =	swait.ge [sflag:s18], $0x80  }
0x3c: {  	[sflag:s18] =	ssyncset.done $0x0  }
0x3d: {  	s15 =	rddreg [dreg:$0x7];
	[sflag:s18] =	ssyncadd.s32 $0xFFFFFF80  }
0x3e: {  	[tilespmem:s20], [sflag:$0xD] =	stream.linear.gather [hbm4b:s15+s3], $0x80, $0x38;
	[tilespmem:$0x1FF00] =	vst v63  }
0x3f: {  	_ =	swait.ge [sflag:s18], $0x80  }
0x40: {  	[sflag:s18] =	ssyncset.done $0x0  }
0x41: {  	s16 =	rddreg [dreg:$0x8];
	[sflag:s18] =	ssyncadd.s32 $0xFFFFFF80  }
0x42: {  	[tilespmem:s21], [sflag:$0xD] =	stream.linear.gather [hbm4b:s16+s3], $0x80, $0x38;
	[tilespmem:$0x1FF00] =	vst v63  }
0x43: {  	_ =	swait.ge [sflag:s18], $0x80  }
0x44: {  	[sflag:s18] =	ssyncset.done $0x0  }
0x45: {  	[sflag:s18] =	ssyncadd.s32 $0xFFFFFF80  }
0x46: {  	[tilespmem:s22], [sflag:$0x1] =	stream.indirect.gather [hbm4b:s4+s19], $0x80, s3, s19, $0xb8;
	[tilespmem:$0x1FF00] =	vst v63  }
0x47: {  	s17 =	rddreg [dreg:$0x9]  }
0x48: {  	[tilespmem:s23], [sflag:$0xD] =	stream.linear.gather [hbm4b:s17+s3], $0x80, $0x38;
	[tilespmem:$0x1FF00] =	vst v63  }
.Ltmp2:
0x49: {  	_ = 	snop;
	(pc) =	sbr.rel .LBB2_2-.Ltmp2, $4  }
0x4a: {  	_ =	swait.ge [sflag:s18], $0x80  }
0x4b: {  	[sflag:s18] =	ssyncset.done $0x0  }
0x4c: {  	s10 =	simm.s32 $0x280;
	s12 =	simm.s32 $0x3;
	[sflag:s18] =	ssyncadd.s32 $0xFFFFFF80  }
0x4d: {  	[tilespmem:s24], [sflag:$0x2] =	stream.indirect.gather [hbm4b:s4+s19], $0x80, s19, s19, $0xb8;
	[tilespmem:$0x1FF00] =	vst v63  }
.LBB2_6:
0x4e: {  	_ =	swait.ge [sflag:s29], $0x4000  }
0x4f: {  	[sflag:s29] =	ssyncset.done $0x0  }
0x50: {  	[sflag:s29] =	ssyncadd.s32 $0xFFFFC000  }
0x51: {  	_ =	swait.ge [sflag:s14], $0x80  }
0x52: {  	[sflag:s14] =	ssyncset.done $0x0  }
0x53: {  	[sflag:s14] =	ssyncadd.s32 $0xFFFFFF80  }
0x54: {  	[spmem:s1] =	stream.indirect.scatter.add.f32 [tilespmem:s24], [sflag:$0x5], $0x80, s23, s19, $0xb8;
	[tilespmem:$0x1FF00] =	vst v63  }
0x55: {  	_ =	swait.ge [sflag:s0], $0x4000  }
0x56: {  	[sflag:s0] =	ssyncset.done $0x0  }
0x57: {  	[sflag:s0] =	ssyncadd.s32 $0xFFFFC000  }
0x58: {  	_ =	swait.ge [sflag:s2], $0x80  }
0x59: {  	[sflag:s2] =	ssyncset.done $0x0  }
0x5a: {  	[sflag:s2] =	ssyncadd.s32 $0xFFFFFF80  }
0x5b: {  	[spmem:s1] =	stream.indirect.scatter.add.f32 [tilespmem:s28], [sflag:$0x6], $0x80, s26, s19, $0xb8;
	[tilespmem:$0x1FF00] =	vst v63  }
.LBB2_7:
0x5c: {  	s10 =	sadd.s32 $0x180, s10  }
0x5d: {  	p0 =	sne.s32 s10, $0x2B00  }
.Ltmp3:
0x5e: {  	_ = 	snop;
	(pc) =	sbr.rel @!p0 .LBB2_8-.Ltmp3, $2  }
0x5f: {  	_ =	sdelay $0x2  }
0x60: {  	s12 =	sadd.s32 $0x3, s12  }
.LBB2_2:
0x61: {  	_ =	swait.ge [sflag:s25], $0x4000  }
0x62: {  	p0 =	sne.s32 s10, $0x280;
	[sflag:s25] =	ssyncset.done $0x0  }
0x63: {  	s16 =	simm.s32 @p0 $0xA;
	[sflag:s25] =	ssyncadd.s32 $0xFFFFC000  }
0x64: {  	_ =	swait.ge @p0 [sflag:s16], $0x80  }
0x65: {  	s9 =	simm.s32 @p0 $0x180;
	[sflag:s16] =	ssyncset.done @p0 $0x0  }
0x66: {  	s17 =	simm.s32 @p0 $0x300;
	[sflag:s16] =	ssyncadd.s32 @p0 $0xFFFFFF80;
	s16 =	simm.s32 @p0 $0x80  }
0x67: {  	[spmem:s1] =	stream.indirect.scatter.add.f32 @p0 [tilespmem:s17], [sflag:$0x4], $0x80, s9, s16, $0xb8;
	[tilespmem:$0x1FF00] =	vst v63  }
0x68: {  	s9 =	simm.s32 @p0 $0x6  }
0x69: {  	_ =	swait.ge @p0 [sflag:s9], $0x4000  }
0x6a: {  	s15 =	simm.s32 @!p0 $0x300;
	s16 =	simm.s32 @!p0 $0x80;
	[sflag:s9] =	ssyncset.done @p0 $0x0  }
0x6b: {  	s17 =	simm.s32 @!p0 $0x180;
	[sflag:s9] =	ssyncadd.s32 @p0 $0xFFFFC000;
	s9 =	sadd.s32 @p0 $0xFFFFFE80, s10  }
0x6c: {  	[spmem:s1] =	stream.indirect.scatter.add.f32 @!p0 [tilespmem:s15], [sflag:$0x4], $0x80, s17, s16, $0xb8;
	[tilespmem:$0x1FF00] =	vst v63  }
0x6d: {  	s9 =	simm.s32 @!p0 $0x100  }
0x6e: {  	s17 =	sand.u32 $0x7C00, s9  }
.Ltmp4:
0x6f: {  	s9 =	sand.u32 $0x380, s9;
	s15 =	sadd.s32 s7, s17;
	(pc) =	sbr.rel @p0 .LBB2_5-.Ltmp4, $4  }
0x70: {  	s9 =	sor.u32 s9, s15  }
0x71: {  	s9 =	sshrl.u32 s9, $0x3  }
0x72: {  	s9 =	sadd.s32 s6, s9  }
0x73: {  	[tilespmem:s26], [sflag:$0xC] =	stream.linear.gather [hbm4b:s9+s3], $0x80, $0x38;
	[tilespmem:$0x1FF00] =	vst v63  }
.Ltmp5:
0x74: {  	(pc) =	sbr.rel .LBB2_4-.Ltmp5, $3  }
0x75: {  	_ =	sdelay $0x1  }
0x76: {  	[tilespmem:s28], [sflag:$0x3] =	stream.indirect.gather [hbm4b:s4+s19], $0x80, s20, s19, $0xb8;
	[tilespmem:$0x1FF00] =	vst v63  }
0x77: {  	s16 =	simm.s32 $0x3  }
.LBB2_5:
0x78: {  	p1 =	sne.s32 s10, $0x2980  }
.Ltmp6:
0x79: {  	_ = 	snop;
	(pc) =	sbr.rel @!p1 .LBB2_6-.Ltmp6, $4  }
0x7a: {  	_ =	swait.ge [sflag:s13], $0x80  }
0x7b: {  	[sflag:s13] =	ssyncset.done $0x0  }
0x7c: {  	s16 =	smov.u32 s12;
	[sflag:s13] =	ssyncadd.s32 $0xFFFFFF80  }
0x7d: {  	[tilespmem:s28], [sflag:$0x3] =	stream.indirect.gather [hbm4b:s4+s19], $0x80, s20, s19, $0xb8;
	[tilespmem:$0x1FF00] =	vst v63  }
.LBB2_4:
0x7e: {  	s9 =	sshll.u32 s16, $0x7  }
0x7f: {  	s15 =	sand.u32 $0x7C00, s9  }
0x80: {  	s9 =	sand.u32 $0x380, s9;
	s15 =	sadd.s32 s7, s15  }
0x81: {  	s9 =	sor.u32 s9, s15  }
0x82: {  	s9 =	sshrl.u32 s9, $0x3  }
0x83: {  	s16 =	sadd.s32 s5, s9  }
0x84: {  	[tilespmem:s3], [sflag:$0x7] =	stream.linear.gather [hbm4b:s16+s3], $0x80, $0x38;
	[tilespmem:$0x1FF00] =	vst v63  }
0x85: {  	_ =	swait.ge [sflag:s29], $0x4000  }
0x86: {  	[sflag:s29] =	ssyncset.done $0x0  }
0x87: {  	s15 =	simm.s32 @p0 $0xB;
	[sflag:s29] =	ssyncadd.s32 $0xFFFFC000  }
0x88: {  	_ =	swait.ge @p0 [sflag:s15], $0x80  }
0x89: {  	s17 =	simm.s32 @p0 $0x4300;
	[sflag:s15] =	ssyncset.done @p0 $0x0  }
0x8a: {  	s16 =	simm.s32 @p0 $0x200;
	[sflag:s15] =	ssyncadd.s32 @p0 $0xFFFFFF80;
	s15 =	simm.s32 @p0 $0x80  }
0x8b: {  	[spmem:s1] =	stream.indirect.scatter.add.f32 @p0 [tilespmem:s17], [sflag:$0x5], $0x80, s16, s15, $0xb8;
	[tilespmem:$0x1FF00] =	vst v63  }
0x8c: {  	s15 =	simm.s32 @!p0 $0x80;
	s16 =	simm.s32 @!p0 $0x200;
	s17 =	simm.s32 @!p0 $0x4300  }
0x8d: {  	[spmem:s1] =	stream.indirect.scatter.add.f32 @!p0 [tilespmem:s17], [sflag:$0x5], $0x80, s16, s15, $0xb8;
	[tilespmem:$0x1FF00] =	vst v63  }
0x8e: {  	_ =	swait.ge [sflag:s30], $0x4000  }
0x8f: {  	s17 =	sadd.s32 $0xFFFFFF80, s10;
	[sflag:s30] =	ssyncset.done $0x0  }
0x90: {  	s9 =	sadd.s32 s6, s9;
	s16 =	sand.u32 $0x7C00, s17;
	[sflag:s30] =	ssyncadd.s32 $0xFFFFC000  }
0x91: {  	[tilespmem:s21], [sflag:$0xA] =	stream.linear.gather [hbm4b:s9+s3], $0x80, $0x38;
	[tilespmem:$0x1FF00] =	vst v63  }
0x92: {  	s15 =	sadd.s32 s7, s16;
	s9 =	sand.u32 $0x380, s17;
	_ =	swait.ge [sflag:s31], $0x80  }
0x93: {  	s9 =	sor.u32 s9, s15;
	[sflag:s31] =	ssyncset.done $0x0  }
0x94: {  	s9 =	sshrl.u32 s9, $0x3;
	[sflag:s31] =	ssyncadd.s32 $0xFFFFFF80  }
0x95: {  	[tilespmem:s22], [sflag:$0x1] =	stream.indirect.gather [hbm4b:s4+s19], $0x80, s3, s19, $0xb8;
	[tilespmem:$0x1FF00] =	vst v63  }
0x96: {  	s17 =	sadd.s32 s5, s9  }
0x97: {  	[tilespmem:s19], [sflag:$0x8] =	stream.linear.gather [hbm4b:s17+s3], $0x80, $0x38;
	[tilespmem:$0x1FF00] =	vst v63  }
0x98: {  	_ =	swait.ge [sflag:s0], $0x4000  }
0x99: {  	[sflag:s0] =	ssyncset.done $0x0  }
0x9a: {  	[sflag:s0] =	ssyncadd.s32 $0xFFFFC000  }
0x9b: {  	_ =	swait.ge [sflag:s2], $0x80  }
0x9c: {  	[sflag:s2] =	ssyncset.done $0x0  }
0x9d: {  	[sflag:s2] =	ssyncadd.s32 $0xFFFFFF80  }
0x9e: {  	[spmem:s1] =	stream.indirect.scatter.add.f32 [tilespmem:s28], [sflag:$0x6], $0x80, s26, s19, $0xb8;
	[tilespmem:$0x1FF00] =	vst v63  }
0x9f: {  	_ =	swait.ge [sflag:s8], $0x4000  }
0xa0: {  	[sflag:s8] =	ssyncset.done $0x0  }
0xa1: {  	s16 =	sand.u32 $0x7C00, s10;
	s9 =	sadd.s32 s6, s9;
	[sflag:s8] =	ssyncadd.s32 $0xFFFFC000  }
0xa2: {  	[tilespmem:s23], [sflag:$0xB] =	stream.linear.gather [hbm4b:s9+s3], $0x80, $0x38;
	[tilespmem:$0x1FF00] =	vst v63  }
0xa3: {  	s17 =	sand.u32 $0x380, s10;
	s9 =	sadd.s32 s7, s16;
	_ =	swait.ge [sflag:s11], $0x80  }
.Ltmp7:
0xa4: {  	s9 =	sor.u32 s17, s9;
	[sflag:s11] =	ssyncset.done $0x0;
	(pc) =	sbr.rel .LBB2_7-.Ltmp7, $4  }
0xa5: {  	s9 =	sshrl.u32 s9, $0x3;
	[sflag:s11] =	ssyncadd.s32 $0xFFFFFF80  }
0xa6: {  	[tilespmem:s24], [sflag:$0x2] =	stream.indirect.gather [hbm4b:s4+s19], $0x80, s19, s19, $0xb8;
	[tilespmem:$0x1FF00] =	vst v63  }
0xa7: {  	s9 =	sadd.s32 s5, s9  }
0xa8: {  	[tilespmem:s20], [sflag:$0x9] =	stream.linear.gather [hbm4b:s9+s3], $0x80, $0x38;
	[tilespmem:$0x1FF00] =	vst v63  }
.LBB2_9:
0xa9: {  	_ =	sfence.sel $0x180000  }
0xaa: {  	[bflag:$0x0] =	sbarrier.arrive $0xFFFF  }
0xab: {  	_ =	strace $0x9000004A  }
0xac: {  	s0 =	stileid.u32;
	[bflag:$0x2] =	sbarrier.arrive $0xFFFF  }
0xad: {  	p0 =	sne.s32 s0, $0x0;
	s0 =	rddreg [dreg:$0x2]  }
0xae: {  	s0 =	sadd.s32 @!p0 $0x100000, s0  }
0xaf: {  	[sflag:s0] =	ssyncadd.tile.s32 @!p0 $0x1;
	_ =	shalt  }
.Lfunc_end2:
_tile_overlayer_lowered:
.L_overlay_start_2:
0xb0: {  	(tag) =	ssettag $0x2  }
0xb1: {  	s0 =	rddreg [dreg:$0x0];
	s2 =	stileid.u32  }
0xb2: {  	s1 =	rddreg [dreg:$0x1];
	p0 =	sne.s32 s2, $0x0  }
0xb3: {  	s3 =	rddreg [dreg:$0x2];
	[bflag:$0x3] =	sbarrier.arrive $0xFFFF;
	s2 =	simm.s32 @!p0 $0x1C0D  }
0xb4: {  	[timem:s3], [sflag:s2] =	dma.local @!p0 [hbm:s0], s1  }
0xb5: {  	s0 =	simm.s32 @!p0 $0xD  }
0xb6: {  	_ =	swait.ge @!p0 [sflag:s0], s1  }
0xb7: {  	s1 =	ssub.s32 @!p0 $0x0, s1;
	[sflag:s0] =	ssyncset.done @!p0 $0x0  }
0xb8: {  	[sflag:s0] =	ssyncadd.s32 @!p0 s1  }
0xb9: {  	[bflag:$0x3] =	sbarrier.arrive $0xFFFF  }
0xba: {  	_ =	shalt  }

// kernel: kernel.7.cloned.1.call-start
scs
__scs_entry_jumppad:
0x0: {  	(pc) =	sbr.rel $0x88, $3  }
0x1: {  	(tag) =	ssettag $0x0;
	lr =	simm.s32 $0x1  }
0x2: {  	[smem:$0x3F95] =	sst lr;
	_ =	strace $0xD0000000  }
0x3: {  	_ = 	snop  }
0x4: {  	_ = 	snop  }
0x5: {  	_ = 	snop  }
0x6: {  	_ = 	snop  }
0x7: {  	_ = 	snop  }
__scs_overlays_trampoline_lowered:
0x8: {  	[smem:$0x3FA4] =	sst s0  }
0x9: {  	[smem:$0x3FA5] =	sst s1  }
0xa: {  	[smem:$0x3FA6] =	sst s2  }
0xb: {  	[smem:$0x3FA7] =	sst s3  }
0xc: {  	[smem:$0x3FA8] =	sst s4  }
0xd: {  	[smem:$0x3FA9] =	sst s5  }
0xe: {  	[smem:$0x3FAA] =	sst s6  }
0xf: {  	[smem:$0x3FAB] =	sst s7  }
0x10: {  	[smem:$0x3FAC] =	sst s8  }
0x11: {  	[smem:$0x3FAD] =	sst s9;
	s0 =	simm.s32 @!p0 $0x0  }
0x12: {  	s1 =	sld [smem:$0x3F93];
	s0 =	simm.s32 @p0 $0x1  }
0x13: {  	[smem:$0x3FAE] =	sst s0;
	s0 =	simm.s32 @!p1 $0x0  }
0x14: {  	s2 =	sld [smem:$0x3F92];
	s0 =	simm.s32 @p1 $0x1  }
0x15: {  	[smem:$0x3FAF] =	sst s0;
	s0 =	simm.s32 @!p2 $0x0  }
0x16: {  	s3 =	sld [smem:$0x3FDB];
	s0 =	simm.s32 @p2 $0x1  }
0x17: {  	s4 =	simm.s32 $0x1BF5;
	[smem:$0x3FB1] =	sst s0  }
0x18: {  	s0 =	sld [smem:$0x3F94];
	_ =	swait.ge [sflag:s4], $0x0  }
0x19: {  	s7 =	sld [smem:$0x3F95]  }
0x1a: {  	s8 =	sadd.s32 $0xFFFFE003, lr  }
0x1b: {  	s9 =	sadd.s32 $0xFFFFFEF7, lr;
	s5 =	simm.s32 $0xFFFFFFFF;
	p2 =	slt.u32 s8, $0xFFFFF086  }
0x1c: {  	p1 =	slt.u32 s9, $0xF7A;
	s5 =	simm.s32 @!p2 $0x0  }
0x1d: {  	s5 =	simm.s32 @p1 $0x1;
	p0 =	seq.s32 s7, s2  }
0x1e: {  	s7 =	smul.u32 @!p0 $0xF7A, s2;
	p2 =	seq.s32 @!p0 s5, $0x0  }
0x1f: {  	s9 =	smul.u32 $0xF7A, s1;
	s8 =	simm.s32 @!p0 $0x1BF5;
	p2 =	por !p2, p0  }
0x20: {  	[sflag:s8] =	ssyncset.s32 @!p0 $0xFFFFF086;
	s6 =	sadd.s32 @!p0 s3, s7;
	s7 =	simm.s32 @!p0 $0x108  }
0x21: {  	s3 =	sadd.s32 s3, s9;
	s6 =	sadd.s32 @!p0 $0x88, s6;
	s7 =	simm.s32 @p2 $0x1082  }
0x22: {  	[simem:s7], [sflag:s8] =	dma.local @!p0 [hbm:s6], $0xF7A  }
0x23: {  	s9 =	sor.u32 $0xD0000000, s2;
	s6 =	simm.s32 $0x108;
	_ =	swait.ge @!p0 [sflag:s8], $0x0  }
0x24: {  	s3 =	sadd.s32 $0x88, s3;
	s6 =	simm.s32 @!p1 $0x1082;
	[sflag:s4] =	ssyncset.s32 $0xFFFFF086  }
0x25: {  	[simem:s6], [sflag:s4] =	dma.local [hbm:s3], $0xF7A  }
0x26: {  	[smem:$0x3F95] =	sst s1;
	(tag) =	ssettag s2;
	_ =	strace s9  }
0x27: {  	s1 =	sld [smem:$0x3FA5]  }
0x28: {  	s2 =	sld [smem:$0x3FA6]  }
0x29: {  	s4 =	sld [smem:$0x3FA8]  }
0x2a: {  	p0 =	seq.s32 s5, $0x0;
	s5 =	sld [smem:$0x3FA9]  }
0x2b: {  	s6 =	sld [smem:$0x3FAA]  }
0x2c: {  	s7 =	sld [smem:$0x3FAB]  }
0x2d: {  	s3 =	simm.s32 $0x108;
	s8 =	sld [smem:$0x3FAC]  }
0x2e: {  	s3 =	simm.s32 @!p0 $0x1082;
	s9 =	sld [smem:$0x3FAD]  }
0x2f: {  	lr =	sadd.s32 s0, s3;
	s0 =	sld [smem:$0x3FA4]  }
0x30: {  	s3 =	sld [smem:$0x3FA7]  }
0x31: {  	[smem:$0x3FB0] =	sst s10  }
0x32: {  	s10 =	sld [smem:$0x3FAE];
	_ =	sdelay $0x3  }
0x33: {  	p0 =	seq.s32 s10, $0x1;
	s10 =	sld [smem:$0x3FB0];
	_ =	sdelay $0x3  }
0x34: {  	[smem:$0x3FB0] =	sst s10  }
0x35: {  	s10 =	sld [smem:$0x3FAF];
	_ =	sdelay $0x3  }
0x36: {  	p1 =	seq.s32 s10, $0x1;
	s10 =	sld [smem:$0x3FB0];
	_ =	sdelay $0x3  }
0x37: {  	[smem:$0x3FB0] =	sst s10  }
0x38: {  	s10 =	sld [smem:$0x3FB1]  }
0x39: {  	_ = 	snop;
	(pc) =	sbr.ind lr, $3  }
0x3a: {  	_ = 	snop  }
0x3b: {  	_ = 	snop  }
0x3c: {  	p2 =	seq.s32 s10, $0x1;
	s10 =	sld [smem:$0x3FB0]  }
0x3d: {  	_ =	shalt  }
0x3e: {  	_ =	shalt  }
0x3f: {  	_ =	shalt  }
0x40: {  	_ =	shalt  }
0x41: {  	_ =	shalt  }
0x42: {  	_ =	shalt  }
0x43: {  	_ =	shalt  }
0x44: {  	_ =	shalt  }
0x45: {  	_ =	shalt  }
0x46: {  	_ =	shalt  }
0x47: {  	_ =	shalt  }
0x48: {  	_ =	shalt  }
0x49: {  	_ =	shalt  }
0x4a: {  	_ =	shalt  }
0x4b: {  	_ =	shalt  }
0x4c: {  	_ =	shalt  }
0x4d: {  	_ =	shalt  }
0x4e: {  	_ =	shalt  }
0x4f: {  	_ =	shalt  }
0x50: {  	_ =	shalt  }
0x51: {  	_ =	shalt  }
0x52: {  	_ =	shalt  }
0x53: {  	_ =	shalt  }
0x54: {  	_ =	shalt  }
0x55: {  	_ =	shalt  }
0x56: {  	_ =	shalt  }
0x57: {  	_ =	shalt  }
0x58: {  	_ =	shalt  }
0x59: {  	_ =	shalt  }
0x5a: {  	_ =	shalt  }
0x5b: {  	_ =	shalt  }
0x5c: {  	_ =	shalt  }
0x5d: {  	_ =	shalt  }
0x5e: {  	_ =	shalt  }
0x5f: {  	_ =	shalt  }
0x60: {  	_ =	shalt  }
0x61: {  	_ =	shalt  }
0x62: {  	_ =	shalt  }
0x63: {  	_ =	shalt  }
0x64: {  	_ =	shalt  }
0x65: {  	_ =	shalt  }
0x66: {  	_ =	shalt  }
0x67: {  	_ =	shalt  }
0x68: {  	_ =	shalt  }
0x69: {  	_ =	shalt  }
0x6a: {  	_ =	shalt  }
0x6b: {  	_ =	shalt  }
0x6c: {  	_ =	shalt  }
0x6d: {  	_ =	shalt  }
0x6e: {  	_ =	shalt  }
0x6f: {  	_ =	shalt  }
0x70: {  	_ =	shalt  }
0x71: {  	_ =	shalt  }
0x72: {  	_ =	shalt  }
0x73: {  	_ =	shalt  }
0x74: {  	_ =	shalt  }
0x75: {  	_ =	shalt  }
0x76: {  	_ =	shalt  }
0x77: {  	_ =	shalt  }
0x78: {  	_ =	shalt  }
0x79: {  	_ =	shalt  }
0x7a: {  	_ =	shalt  }
0x7b: {  	_ =	shalt  }
0x7c: {  	_ =	shalt  }
0x7d: {  	_ =	shalt  }
0x7e: {  	_ =	shalt  }
0x7f: {  	_ =	shalt  }
0x80: {  	_ =	shalt  }
0x81: {  	_ =	shalt  }
0x82: {  	_ =	shalt  }
0x83: {  	_ =	shalt  }
0x84: {  	_ =	shalt  }
0x85: {  	_ =	shalt  }
0x86: {  	_ =	shalt  }
0x87: {  	_ =	shalt  }
.Lfunc_end0:
.L_simem_size_0:
called_computation_lowered:
.L_overlay_start_0:
0x88: {  	s2 =	sld [smem:$0x3FD9]  }
0x89: {  	s3 =	sld [smem:$0x3FFE];
	_ =	sdelay $0x1  }
0x8a: {  	s1 =	srdreg.scid  }
0x8b: {  	s0 =	sand.u32 $0x1, s1  }
0x8c: {  	s16 =	sshll.u32 s0, $0xA;
	s2 =	sadd.s32 s3, s2  }
0x8d: {  	s2 =	sadd.s32 s2, s16  }
0x8e: {  	[smem:$0x3FBC] =	sst s2  }
0x8f: {  	_ = 	snop  }
0x90: {  	(tm) =	ssettm $0x1  }
0x91: {  	s17 =	sld [smem:$0x3FFB];
	_ =	sdelay $0x3  }
0x92: {  	_ =	strace s17  }
0x93: {  	s2 =	sld [smem:$0x3FFC];
	_ =	sdelay $0x3  }
0x94: {  	_ =	strace s2  }
0x95: {  	s2 =	sld [smem:$0x3FFD];
	_ =	sdelay $0x3  }
0x96: {  	_ =	strace s2  }
0x97: {  	_ =	strace $0x8FFFFFFF  }
0x98: {  	s18 =	sld [smem:$0x3FDB];
	_ =	sdelay $0x1  }
0x99: {  	s19 =	simm.s32 $_scs_section_size  }
0x9a: {  	s4 =	simm.s32 $_size__tile_overlayer_lowered;
	s5 =	simm.s32 $_tile_overlayer_lowered  }
0x9b: {  	s22 =	simm.s32 $0x1BFF;
	s21 =	sshll.u32 s5, $0x1;
	s2 =	sadd.s32 s19, s18  }
0x9c: {  	s6 =	simm.s32 $0x0;
	s20 =	sshll.u32 s4, $0x1;
	s4 =	sadd.s32 s21, s2  }
0x9d: {  	[timem:s6], [sflag:s22] =	dma.local [hbm:s4], s20  }
0x9e: {  	_ =	swait.ge [sflag:s22], s20  }
0x9f: {  	s3 =	ssub.s32 $0x0, s20;
	[sflag:s22] =	ssyncset.done $0x0  }
0xa0: {  	[sflag:s22] =	ssyncadd.s32 s3;
	_ =	sdelay $0x1  }
0xa1: {  	s23 =	simm.s32 $0x1B8B  }
0xa2: {  	_ =	swait.ge [sflag:s23], $0x1  }
0xa3: {  	[sflag:s23] =	ssyncset.done $0x0  }
0xa4: {  	s25 =	simm.s32 $0x1B8E;
	s24 =	sld [smem:$0x3FFE];
	[sflag:s23] =	ssyncadd.s32 $0xFFFFFFFF  }
0xa5: {  	s26 =	simm.s32 $execute0_lowered;
	[smem:$0x3FD2] =	sst s25  }
0xa6: {  	s4 =	sshll.u32 s26, $0x1;
	_ =	strace $0x80000046;
	[dreg:$0x1] =	wrdreg $0xFFFFFFFF  }
0xa7: {  	s28 =	simm.s32 $_size_execute0_lowered;
	s2 =	sadd.s32 s2, s4;
	[dreg:$0x0] =	wrdreg $0x0  }
0xa8: {  	s4 =	sshll.u32 s28, $0x1;
	[dreg:$0x2] =	wrdreg s2  }
0xa9: {  	[dreg:$0x3] =	wrdreg s4  }
0xaa: {  	[dreg:$0x4] =	wrdreg $0xC0  }
0xab: {  	_ =	task [dreg:s6], $0x5FFFF  }
0xac: {  	[dreg:$0x1] =	wrdreg $0xFFFFFFFF  }
0xad: {  	[dreg:$0x0] =	wrdreg $0x60  }
0xae: {  	[dreg:$0x2] =	wrdreg s24  }
0xaf: {  	[dreg:$0x3] =	wrdreg $0xC3000  }
0xb0: {  	[dreg:$0x4] =	wrdreg $0x9  }
0xb1: {  	_ =	task.clear_ibuf [dreg:s6], $0x5FFFF;
	_ =	strace $0x90000046  }
0xb2: {  	s29 =	simm.s32 $0x9;
	_ =	strace $0x80000048  }
0xb3: {  	_ =	swait.ge [sflag:s29], $0x1  }
0xb4: {  	[sflag:s29] =	ssyncadd.s32 $0xFFFFFFFF  }
0xb5: {  	_ =	strace $0x90000048  }
0xb6: {  	_ =	sfence  }
0xb7: {  	s30 =	sld [smem:$0x0];
	_ =	sdelay $0x2  }
0xb8: {  	s31 =	sshll.u32 s1, $0xD;
	s1 =	sshrl.u32 s1, $0x2  }
0xb9: {  	s3 =	sand.u32 $0x4000, s31;
	s1 =	sadd.s32 s1, s30  }
0xba: {  	s0 =	sor.u32 s3, s0;
	s1 =	sshll.u32 s1, $0x11  }
0xbb: {  	s0 =	sor.u32 s1, s0  }
0xbc: {  	s0 =	sadd.s32 $0x8F2B, s0  }
0xbd: {  	[sflag:s0] =	ssyncadd.remote.s32 $0x1  }
0xbe: {  	_ =	sfence.sel $0xFFFF  }
0xbf: {  	[dreg:$0x0] =	wrdreg $0xFFFFFFFF;
	(pc) =	sbr.abs _section_cstart, $3  }
0xc0: {  	[dreg:$0x1] =	wrdreg $0xFFFFFFFF  }
0xc1: {  	_ =	task.clear_ibuf [dreg:s6], $0x2FFFF;
	_ =	strace $0x9FFFFFFF  }
0xc2: {  	(tm) =	ssettm $0x7FFFFFFF  }
0xc3: {  	_ =	shalt  }
tec
execute0_lowered:
.L_overlay_start_1:
0x0: {  	(tag) =	ssettag $0x1  }
0x1: {  	s0 =	rddreg [dreg:$0x0]  }
0x2: {  	s1 =	rddreg [dreg:$0x1];
	s3 =	simm.s32 $0x0;
	s2 =	srdreg.scid  }
0x3: {  	s11 =	stileid.u32;
	s28 =	simm.s32 $0x8300;
	s29 =	simm.s32 $0x2  }
0x4: {  	s30 =	simm.s32 $0x4;
	s31 =	simm.s32 $0x7;
	s17 =	simm.s32 $0x0  }
0x5: {  	[smem:$0x7FF] =	sst s3;
	s2 =	sand.u32 $0x1, s2;
	s4 =	sadd.s32 $0x18600, s0  }
0x6: {  	s8 =	smul.u32 $0x13C00, s11;
	s5 =	sadd.s32 $0x2600, s0;
	s6 =	sadd.s32 $0xD600, s0  }
0x7: {  	s19 =	smul.u32 $0x4F000, s11;
	s20 =	sadd.s32 $0x40600, s0;
	s24 =	sshll.u32 s11, $0x6  }
0x8: {  	s7 =	smul.u32 $0x140000, s2;
	_ =	strace $0x80000047;
	s9 =	sshll.u32 s2, $0x4  }
0x9: {  	s2 =	ssub.s32 $0x2, s2;
	[dreg:$0x3] =	wrdreg s20;
	s12 =	sor.u32 $0x1C0D, s24  }
0xa: {  	s20 =	simm.s32 $0x100;
	s24 =	simm.s32 $0x4300;
	[dreg:$0xd] =	wrdreg s17  }
0xb: {  	s18 =	sor.u32 s11, s9;
	s21 =	sshrl.u32 s2, $0x1;
	s22 =	sshrl.u32 s19, $0x2  }
0xc: {  	s19 =	simm.s32 $0x80;
	s11 =	simm.s32 $0x8;
	[dreg:$0x4] =	wrdreg s12  }
0xd: {  	s7 =	sadd.s32 s8, s7;
	s2 =	ssub.s32 s2, s21;
	s8 =	sadd.s32 s22, s1  }
0xe: {  	s21 =	simm.s32 $0x180;
	s22 =	simm.s32 $0x300;
	s10 =	sshrl.u32 s7, $0x3  }
0xf: {  	s7 =	smul.u32 $0x2C00, s18;
	s16 =	smax.u32 s2, $0x1;
	s18 =	simm.s32 $0xD  }
0x10: {  	s2 =	simm.s32 $0xC;
	s0 =	sadd.s32 s10, s0;
	[dreg:$0xb] =	wrdreg s16  }
0x11: {  	s10 =	sshrl.u32 s8, $0x3;
	s8 =	simm.s32 $0x5;
	s23 =	sshrl.u32 s7, $0x3  }
0x12: {  	s0 =	sadd.s32 $0x42E00, s0;
	[dreg:$0xc] =	wrdreg s10;
	s25 =	sor.u32 $0x10, s23  }
0x13: {  	s26 =	sadd.s32 s5, s23;
	s14 =	sadd.s32 s6, s23;
	[dreg:$0xa] =	wrdreg s0  }
.Ltmp0:
0x14: {  	s23 =	simm.s32 $0x200;
	[dreg:$0x5] =	wrdreg s26;
	(pc) =	sbr.rel .LBB2_1-.Ltmp0, $4  }
0x15: {  	s0 =	simm.s32 $0x3;
	s13 =	sadd.s32 s5, s25;
	[dreg:$0x8] =	wrdreg s14  }
0x16: {  	s9 =	sadd.s32 $0x20, s26;
	s15 =	sadd.s32 s6, s25;
	[dreg:$0x6] =	wrdreg s13  }
0x17: {  	s25 =	simm.s32 $0x1;
	s26 =	simm.s32 $0x280;
	[dreg:$0x7] =	wrdreg s9  }
0x18: {  	s14 =	simm.s32 $0xB;
	[dreg:$0x9] =	wrdreg s15;
	s13 =	simm.s32 $0x9  }
.LBB2_8:
0x19: {  	_ =	swait.ge [sflag:s30], $0x4000  }
0x1a: {  	[sflag:s30] =	ssyncset.done $0x0  }
0x1b: {  	[sflag:s30] =	ssyncadd.s32 $0xFFFFC000  }
0x1c: {  	_ =	swait.ge [sflag:s8], $0x4000  }
0x1d: {  	[sflag:s8] =	ssyncset.done $0x0  }
0x1e: {  	s9 =	simm.s32 $0x6;
	[sflag:s8] =	ssyncadd.s32 $0xFFFFC000  }
0x1f: {  	_ =	swait.ge [sflag:s9], $0x4000  }
0x20: {  	[sflag:s9] =	ssyncset.done $0x0  }
0x21: {  	[sflag:s9] =	ssyncadd.s32 $0xFFFFC000  }
0x22: {  	[bflag:$0x0] =	sbarrier.arrive $0xFFFF  }
0x23: {  	s12 =	rddreg [dreg:$0x4]  }
0x24: {  	s16 =	rddreg [dreg:$0xa]  }
0x25: {  	s10 =	rddreg [dreg:$0xc]  }
0x26: {  	[hbm:s16], [sflag:s12] =	dma.local [spmem:s10], $0x2780  }
0x27: {  	_ =	swait.ge [sflag:s18], $0x2780  }
0x28: {  	s15 =	rddreg [dreg:$0xd]  }
0x29: {  	s17 =	rddreg [dreg:$0xb];
	s15 =	sadd.s32 $0x1, s15  }
0x2a: {  	p0 =	sne.s32 s15, s17  }
.Ltmp1:
0x2b: {  	_ = 	snop;
	(pc) =	sbr.rel @!p0 .LBB2_9-.Ltmp1, $3  }
0x2c: {  	_ =	sdelay $0x1  }
0x2d: {  	[sflag:s18] =	ssyncset.done $0x0  }
0x2e: {  	[sflag:s18] =	ssyncadd.s32 $0xFFFFD880;
	[dreg:$0xd] =	wrdreg s15  }
.LBB2_1:
0x2f: {  	s9 =	rddreg [dreg:$0x3]  }
0x30: {  	[spmem:s10], [sflag:s12] =	dma.local [hbm:s9], $0x2780  }
0x31: {  	_ =	swait.ge [sflag:s18], $0x2780  }
0x32: {  	[sflag:s18] =	ssyncset.done $0x0  }
0x33: {  	[sflag:s18] =	ssyncadd.s32 $0xFFFFD880  }
0x34: {  	[bflag:$0x0] =	sbarrier.arrive $0xFFFF  }
0x35: {  	s10 =	rddreg [dreg:$0x5]  }
0x36: {  	[tilespmem:s3], [sflag:$0xD] =	stream.linear.gather [hbm4b:s10+s3], $0x80, $0x38;
	[tilespmem:$0x1FF00] =	vst v63  }
0x37: {  	_ =	swait.ge [sflag:s18], $0x80  }
0x38: {  	[sflag:s18] =	ssyncset.done $0x0  }
0x39: {  	s12 =	rddreg [dreg:$0x6];
	[sflag:s18] =	ssyncadd.s32 $0xFFFFFF80  }
0x3a: {  	[tilespmem:s19], [sflag:$0xD] =	stream.linear.gather [hbm4b:s12+s3], $0x80, $0x38;
	[tilespmem:$0x1FF00] =	vst v63  }
0x3b: {  	_ =	swait.ge [sflag:s18], $0x80  }
0x3c: {  	[sflag:s18] =	ssyncset.done $0x0  }
0x3d: {  	s15 =	rddreg [dreg:$0x7];
	[sflag:s18] =	ssyncadd.s32 $0xFFFFFF80  }
0x3e: {  	[tilespmem:s20], [sflag:$0xD] =	stream.linear.gather [hbm4b:s15+s3], $0x80, $0x38;
	[tilespmem:$0x1FF00] =	vst v63  }
0x3f: {  	_ =	swait.ge [sflag:s18], $0x80  }
0x40: {  	[sflag:s18] =	ssyncset.done $0x0  }
0x41: {  	s16 =	rddreg [dreg:$0x8];
	[sflag:s18] =	ssyncadd.s32 $0xFFFFFF80  }
0x42: {  	[tilespmem:s21], [sflag:$0xD] =	stream.linear.gather [hbm4b:s16+s3], $0x80, $0x38;
	[tilespmem:$0x1FF00] =	vst v63  }
0x43: {  	_ =	swait.ge [sflag:s18], $0x80  }
0x44: {  	[sflag:s18] =	ssyncset.done $0x0  }
0x45: {  	[sflag:s18] =	ssyncadd.s32 $0xFFFFFF80  }
0x46: {  	[tilespmem:s22], [sflag:$0x1] =	stream.indirect.gather [hbm4b:s4+s19], $0x80, s3, s19, $0xb8;
	[tilespmem:$0x1FF00] =	vst v63  }
0x47: {  	s17 =	rddreg [dreg:$0x9]  }
0x48: {  	[tilespmem:s23], [sflag:$0xD] =	stream.linear.gather [hbm4b:s17+s3], $0x80, $0x38;
	[tilespmem:$0x1FF00] =	vst v63  }
.Ltmp2:
0x49: {  	_ = 	snop;
	(pc) =	sbr.rel .LBB2_2-.Ltmp2, $4  }
0x4a: {  	_ =	swait.ge [sflag:s18], $0x80  }
0x4b: {  	[sflag:s18] =	ssyncset.done $0x0  }
0x4c: {  	s10 =	simm.s32 $0x280;
	s12 =	simm.s32 $0x3;
	[sflag:s18] =	ssyncadd.s32 $0xFFFFFF80  }
0x4d: {  	[tilespmem:s24], [sflag:$0x2] =	stream.indirect.gather [hbm4b:s4+s19], $0x80, s19, s19, $0xb8;
	[tilespmem:$0x1FF00] =	vst v63  }
.LBB2_6:
0x4e: {  	_ =	swait.ge [sflag:s29], $0x4000  }
0x4f: {  	[sflag:s29] =	ssyncset.done $0x0  }
0x50: {  	[sflag:s29] =	ssyncadd.s32 $0xFFFFC000  }
0x51: {  	_ =	swait.ge [sflag:s14], $0x80  }
0x52: {  	[sflag:s14] =	ssyncset.done $0x0  }
0x53: {  	[sflag:s14] =	ssyncadd.s32 $0xFFFFFF80  }
0x54: {  	[spmem:s1] =	stream.indirect.scatter.add.f32 [tilespmem:s24], [sflag:$0x5], $0x80, s23, s19, $0xb8;
	[tilespmem:$0x1FF00] =	vst v63  }
0x55: {  	_ =	swait.ge [sflag:s0], $0x4000  }
0x56: {  	[sflag:s0] =	ssyncset.done $0x0  }
0x57: {  	[sflag:s0] =	ssyncadd.s32 $0xFFFFC000  }
0x58: {  	_ =	swait.ge [sflag:s2], $0x80  }
0x59: {  	[sflag:s2] =	ssyncset.done $0x0  }
0x5a: {  	[sflag:s2] =	ssyncadd.s32 $0xFFFFFF80  }
0x5b: {  	[spmem:s1] =	stream.indirect.scatter.add.f32 [tilespmem:s28], [sflag:$0x6], $0x80, s26, s19, $0xb8;
	[tilespmem:$0x1FF00] =	vst v63  }
.LBB2_7:
0x5c: {  	s10 =	sadd.s32 $0x180, s10  }
0x5d: {  	p0 =	sne.s32 s10, $0x2B00  }
.Ltmp3:
0x5e: {  	_ = 	snop;
	(pc) =	sbr.rel @!p0 .LBB2_8-.Ltmp3, $2  }
0x5f: {  	_ =	sdelay $0x2  }
0x60: {  	s12 =	sadd.s32 $0x3, s12  }
.LBB2_2:
0x61: {  	_ =	swait.ge [sflag:s25], $0x4000  }
0x62: {  	p0 =	sne.s32 s10, $0x280;
	[sflag:s25] =	ssyncset.done $0x0  }
0x63: {  	s16 =	simm.s32 @p0 $0xA;
	[sflag:s25] =	ssyncadd.s32 $0xFFFFC000  }
0x64: {  	_ =	swait.ge @p0 [sflag:s16], $0x80  }
0x65: {  	s9 =	simm.s32 @p0 $0x180;
	[sflag:s16] =	ssyncset.done @p0 $0x0  }
0x66: {  	s17 =	simm.s32 @p0 $0x300;
	[sflag:s16] =	ssyncadd.s32 @p0 $0xFFFFFF80;
	s16 =	simm.s32 @p0 $0x80  }
0x67: {  	[spmem:s1] =	stream.indirect.scatter.add.f32 @p0 [tilespmem:s17], [sflag:$0x4], $0x80, s9, s16, $0xb8;
	[tilespmem:$0x1FF00] =	vst v63  }
0x68: {  	s9 =	simm.s32 @p0 $0x6  }
0x69: {  	_ =	swait.ge @p0 [sflag:s9], $0x4000  }
0x6a: {  	s15 =	simm.s32 @!p0 $0x300;
	s16 =	simm.s32 @!p0 $0x80;
	[sflag:s9] =	ssyncset.done @p0 $0x0  }
0x6b: {  	s17 =	simm.s32 @!p0 $0x180;
	[sflag:s9] =	ssyncadd.s32 @p0 $0xFFFFC000;
	s9 =	sadd.s32 @p0 $0xFFFFFE80, s10  }
0x6c: {  	[spmem:s1] =	stream.indirect.scatter.add.f32 @!p0 [tilespmem:s15], [sflag:$0x4], $0x80, s17, s16, $0xb8;
	[tilespmem:$0x1FF00] =	vst v63  }
0x6d: {  	s9 =	simm.s32 @!p0 $0x100  }
0x6e: {  	s17 =	sand.u32 $0x7C00, s9  }
.Ltmp4:
0x6f: {  	s9 =	sand.u32 $0x380, s9;
	s15 =	sadd.s32 s7, s17;
	(pc) =	sbr.rel @p0 .LBB2_5-.Ltmp4, $4  }
0x70: {  	s9 =	sor.u32 s9, s15  }
0x71: {  	s9 =	sshrl.u32 s9, $0x3  }
0x72: {  	s9 =	sadd.s32 s6, s9  }
0x73: {  	[tilespmem:s26], [sflag:$0xC] =	stream.linear.gather [hbm4b:s9+s3], $0x80, $0x38;
	[tilespmem:$0x1FF00] =	vst v63  }
.Ltmp5:
0x74: {  	(pc) =	sbr.rel .LBB2_4-.Ltmp5, $3  }
0x75: {  	_ =	sdelay $0x1  }
0x76: {  	[tilespmem:s28], [sflag:$0x3] =	stream.indirect.gather [hbm4b:s4+s19], $0x80, s20, s19, $0xb8;
	[tilespmem:$0x1FF00] =	vst v63  }
0x77: {  	s16 =	simm.s32 $0x3  }
.LBB2_5:
0x78: {  	p1 =	sne.s32 s10, $0x2980  }
.Ltmp6:
0x79: {  	_ = 	snop;
	(pc) =	sbr.rel @!p1 .LBB2_6-.Ltmp6, $4  }
0x7a: {  	_ =	swait.ge [sflag:s13], $0x80  }
0x7b: {  	[sflag:s13] =	ssyncset.done $0x0  }
0x7c: {  	s16 =	smov.u32 s12;
	[sflag:s13] =	ssyncadd.s32 $0xFFFFFF80  }
0x7d: {  	[tilespmem:s28], [sflag:$0x3] =	stream.indirect.gather [hbm4b:s4+s19], $0x80, s20, s19, $0xb8;
	[tilespmem:$0x1FF00] =	vst v63  }
.LBB2_4:
0x7e: {  	s9 =	sshll.u32 s16, $0x7  }
0x7f: {  	s15 =	sand.u32 $0x7C00, s9  }
0x80: {  	s9 =	sand.u32 $0x380, s9;
	s15 =	sadd.s32 s7, s15  }
0x81: {  	s9 =	sor.u32 s9, s15  }
0x82: {  	s9 =	sshrl.u32 s9, $0x3  }
0x83: {  	s16 =	sadd.s32 s5, s9  }
0x84: {  	[tilespmem:s3], [sflag:$0x7] =	stream.linear.gather [hbm4b:s16+s3], $0x80, $0x38;
	[tilespmem:$0x1FF00] =	vst v63  }
0x85: {  	_ =	swait.ge [sflag:s29], $0x4000  }
0x86: {  	[sflag:s29] =	ssyncset.done $0x0  }
0x87: {  	s15 =	simm.s32 @p0 $0xB;
	[sflag:s29] =	ssyncadd.s32 $0xFFFFC000  }
0x88: {  	_ =	swait.ge @p0 [sflag:s15], $0x80  }
0x89: {  	s17 =	simm.s32 @p0 $0x4300;
	[sflag:s15] =	ssyncset.done @p0 $0x0  }
0x8a: {  	s16 =	simm.s32 @p0 $0x200;
	[sflag:s15] =	ssyncadd.s32 @p0 $0xFFFFFF80;
	s15 =	simm.s32 @p0 $0x80  }
0x8b: {  	[spmem:s1] =	stream.indirect.scatter.add.f32 @p0 [tilespmem:s17], [sflag:$0x5], $0x80, s16, s15, $0xb8;
	[tilespmem:$0x1FF00] =	vst v63  }
0x8c: {  	s15 =	simm.s32 @!p0 $0x80;
	s16 =	simm.s32 @!p0 $0x200;
	s17 =	simm.s32 @!p0 $0x4300  }
0x8d: {  	[spmem:s1] =	stream.indirect.scatter.add.f32 @!p0 [tilespmem:s17], [sflag:$0x5], $0x80, s16, s15, $0xb8;
	[tilespmem:$0x1FF00] =	vst v63  }
0x8e: {  	_ =	swait.ge [sflag:s30], $0x4000  }
0x8f: {  	s17 =	sadd.s32 $0xFFFFFF80, s10;
	[sflag:s30] =	ssyncset.done $0x0  }
0x90: {  	s9 =	sadd.s32 s6, s9;
	s16 =	sand.u32 $0x7C00, s17;
	[sflag:s30] =	ssyncadd.s32 $0xFFFFC000  }
0x91: {  	[tilespmem:s21], [sflag:$0xA] =	stream.linear.gather [hbm4b:s9+s3], $0x80, $0x38;
	[tilespmem:$0x1FF00] =	vst v63  }
0x92: {  	s15 =	sadd.s32 s7, s16;
	s9 =	sand.u32 $0x380, s17;
	_ =	swait.ge [sflag:s31], $0x80  }
0x93: {  	s9 =	sor.u32 s9, s15;
	[sflag:s31] =	ssyncset.done $0x0  }
0x94: {  	s9 =	sshrl.u32 s9, $0x3;
	[sflag:s31] =	ssyncadd.s32 $0xFFFFFF80  }
0x95: {  	[tilespmem:s22], [sflag:$0x1] =	stream.indirect.gather [hbm4b:s4+s19], $0x80, s3, s19, $0xb8;
	[tilespmem:$0x1FF00] =	vst v63  }
0x96: {  	s17 =	sadd.s32 s5, s9  }
0x97: {  	[tilespmem:s19], [sflag:$0x8] =	stream.linear.gather [hbm4b:s17+s3], $0x80, $0x38;
	[tilespmem:$0x1FF00] =	vst v63  }
0x98: {  	_ =	swait.ge [sflag:s0], $0x4000  }
0x99: {  	[sflag:s0] =	ssyncset.done $0x0  }
0x9a: {  	[sflag:s0] =	ssyncadd.s32 $0xFFFFC000  }
0x9b: {  	_ =	swait.ge [sflag:s2], $0x80  }
0x9c: {  	[sflag:s2] =	ssyncset.done $0x0  }
0x9d: {  	[sflag:s2] =	ssyncadd.s32 $0xFFFFFF80  }
0x9e: {  	[spmem:s1] =	stream.indirect.scatter.add.f32 [tilespmem:s28], [sflag:$0x6], $0x80, s26, s19, $0xb8;
	[tilespmem:$0x1FF00] =	vst v63  }
0x9f: {  	_ =	swait.ge [sflag:s8], $0x4000  }
0xa0: {  	[sflag:s8] =	ssyncset.done $0x0  }
0xa1: {  	s16 =	sand.u32 $0x7C00, s10;
	s9 =	sadd.s32 s6, s9;
	[sflag:s8] =	ssyncadd.s32 $0xFFFFC000  }
0xa2: {  	[tilespmem:s23], [sflag:$0xB] =	stream.linear.gather [hbm4b:s9+s3], $0x80, $0x38;
	[tilespmem:$0x1FF00] =	vst v63  }
0xa3: {  	s17 =	sand.u32 $0x380, s10;
	s9 =	sadd.s32 s7, s16;
	_ =	swait.ge [sflag:s11], $0x80  }
.Ltmp7:
0xa4: {  	s9 =	sor.u32 s17, s9;
	[sflag:s11] =	ssyncset.done $0x0;
	(pc) =	sbr.rel .LBB2_7-.Ltmp7, $4  }
0xa5: {  	s9 =	sshrl.u32 s9, $0x3;
	[sflag:s11] =	ssyncadd.s32 $0xFFFFFF80  }
0xa6: {  	[tilespmem:s24], [sflag:$0x2] =	stream.indirect.gather [hbm4b:s4+s19], $0x80, s19, s19, $0xb8;
	[tilespmem:$0x1FF00] =	vst v63  }
0xa7: {  	s9 =	sadd.s32 s5, s9  }
0xa8: {  	[tilespmem:s20], [sflag:$0x9] =	stream.linear.gather [hbm4b:s9+s3], $0x80, $0x38;
	[tilespmem:$0x1FF00] =	vst v63  }
.LBB2_9:
0xa9: {  	_ =	sfence.sel $0x180000  }
0xaa: {  	[bflag:$0x0] =	sbarrier.arrive $0xFFFF  }
0xab: {  	_ =	strace $0x90000047  }
0xac: {  	s0 =	stileid.u32;
	[bflag:$0x2] =	sbarrier.arrive $0xFFFF  }
0xad: {  	p0 =	sne.s32 s0, $0x0;
	s0 =	rddreg [dreg:$0x2]  }
0xae: {  	s0 =	sadd.s32 @!p0 $0x100000, s0  }
0xaf: {  	[sflag:s0] =	ssyncadd.tile.s32 @!p0 $0x1;
	_ =	shalt  }
.Lfunc_end2:
_tile_overlayer_lowered:
.L_overlay_start_2:
0xb0: {  	(tag) =	ssettag $0x2  }
0xb1: {  	s0 =	rddreg [dreg:$0x0];
	s2 =	stileid.u32  }
0xb2: {  	s1 =	rddreg [dreg:$0x1];
	p0 =	sne.s32 s2, $0x0  }
0xb3: {  	s3 =	rddreg [dreg:$0x2];
	[bflag:$0x3] =	sbarrier.arrive $0xFFFF;
	s2 =	simm.s32 @!p0 $0x1C0D  }
0xb4: {  	[timem:s3], [sflag:s2] =	dma.local @!p0 [hbm:s0], s1  }
0xb5: {  	s0 =	simm.s32 @!p0 $0xD  }
0xb6: {  	_ =	swait.ge @!p0 [sflag:s0], s1  }
0xb7: {  	s1 =	ssub.s32 @!p0 $0x0, s1;
	[sflag:s0] =	ssyncset.done @!p0 $0x0  }
0xb8: {  	[sflag:s0] =	ssyncadd.s32 @!p0 s1  }
0xb9: {  	[bflag:$0x3] =	sbarrier.arrive $0xFFFF  }
0xba: {  	_ =	shalt  }

</sc_bundles>
